<compile_context>
chip_gen: v7x
topology: tpu7x:2x2x1
jax: 0.10.2.dev20260603
libtpu: 0.0.44.dev20260713+nightly
codegen_flags: <defaults>
</compile_context>

<pallas_src>
import functools

import jax
import jax.numpy as jnp
from jax import lax
from jax.experimental import pallas as pl
from jax.experimental.pallas import tpu as pltpu
from jax.experimental.pallas import tpu_sc as plsc

NC = 2
NS = 16
NW = NC * NS

EMB_DIM = 64
KB = 2
NBUF = 8


def _make_gather(batch: int, hist: int):
  b_per_w = batch // NW
  n_super = b_per_w // KB
  n_groups = n_super // NBUF
  mesh = plsc.VectorSubcoreMesh(core_axis_name="c", subcore_axis_name="s")

  scratch = [pltpu.VMEM((b_per_w, hist), jnp.int32)]
  scratch += [pltpu.VMEM((KB, hist, EMB_DIM), jnp.float32) for _ in range(NBUF)]
  scratch += [pltpu.SemaphoreType.DMA for _ in range(2 * NBUF)]

  @functools.partial(
      pl.kernel,
      out_type=jax.ShapeDtypeStruct((batch, hist, EMB_DIM), jnp.float32),
      mesh=mesh,
      scratch_types=scratch,
      compiler_params=pltpu.CompilerParams(use_tc_tiling_on_sc=False),
  )
  def gather_kernel(table_hbm, idx_hbm, out_hbm, idx_v, *rest):
    bufs = rest[:NBUF]
    gsems = rest[NBUF:2 * NBUF]
    wsems = rest[2 * NBUF:]
    wid = lax.axis_index("s") * NC + lax.axis_index("c")
    base = wid * b_per_w
    pltpu.sync_copy(idx_hbm.at[pl.ds(base, b_per_w)], idx_v)

    def issue_gathers(s, b):
      for k in range(KB):
        pltpu.async_copy(
            table_hbm.at[idx_v.at[s * KB + k]],
            bufs[b].at[k],
            gsems[b])

    for b in range(NBUF):
      issue_gathers(jnp.int32(b), b)

    def group(gi, carry):
      s0 = gi * NBUF
      for b in range(NBUF):
        s = s0 + b
        for k in range(KB):
          pltpu.make_async_copy(table_hbm.at[idx_v.at[s * KB + k]],
                                bufs[b].at[k], gsems[b]).wait()
        wr = pltpu.make_async_copy(
            bufs[b], out_hbm.at[pl.ds(base + s * KB, KB)], wsems[b])
        wr.start()
        wr.wait()

        @pl.when(gi < n_groups - 1)
        def _():
          issue_gathers(s + NBUF, b)

      return carry

    lax.fori_loop(0, n_groups, group, 0)

  return gather_kernel


def kernel(token_ids, embedding_matrix):
  batch, hist = token_ids.shape
  idx = token_ids.astype(jnp.int32)
  return _make_gather(batch, hist)(embedding_matrix, idx)

# --- scband reference (transcript-rebuilt; emitter-appended) ---
"""Pipeline reference for scband-embedding-29240137351615 (READ-ONLY COPY).

The authoritative reference and input builder live on the scoring server;
editing this copy changes nothing except your own understanding.
"""

import jax, jax.numpy as jnp
import numpy as np

NUM_EMBEDDINGS = 1000000
EMBEDDING_DIM = 64
BATCH = 16384
HIST = 50

def setup_inputs(seed: int = 0) -> dict:
    key = jax.random.key(seed)
    k_idx, k_w = jax.random.split(key)
    token_ids = jax.random.randint(k_idx, (BATCH, HIST), 0, NUM_EMBEDDINGS, dtype=jnp.int64 if jax.config.jax_enable_x64 else jnp.int32)
    # trunc_normal_(mean=0, std=1, a=-3, b=3)
    embedding_matrix = jax.random.truncated_normal(k_w, -3.0, 3.0, (NUM_EMBEDDINGS, EMBEDDING_DIM), dtype=jnp.float32)
    return {"token_ids": token_ids, "embedding_matrix": embedding_matrix}

def reference(token_ids, embedding_matrix):
    # forward: self.embedding_matrix[token_ids]
    return jnp.take(embedding_matrix, token_ids, axis=0)

if __name__ == "__main__":
    import jax
    _d = setup_inputs()
    print(jax.jit(kernel)(*tuple(_d.values())))

</pallas_src>

<mosaic_0001>
#map = affine_map<(d0, d1) -> (0, 0)>
#map1 = affine_map<(d0, d1) -> (0, 0, 0)>
module attributes {stable_mosaic.version = 14 : i64} {
  func.func @gather_kernel(%arg0: i32, %arg1: i32, %arg2: memref<1000000x64xf32, #tpu.memory_space<hbm>>, %arg3: memref<16384x50xi32, #tpu.memory_space<hbm>>, %arg4: memref<16384x50x64xf32, #tpu.memory_space<hbm>>, %arg5: memref<512x50xi32, #tpu.memory_space<vmem>>, %arg6: memref<2x50x64xf32, #tpu.memory_space<vmem>>, %arg7: memref<2x50x64xf32, #tpu.memory_space<vmem>>, %arg8: memref<2x50x64xf32, #tpu.memory_space<vmem>>, %arg9: memref<2x50x64xf32, #tpu.memory_space<vmem>>, %arg10: memref<2x50x64xf32, #tpu.memory_space<vmem>>, %arg11: memref<2x50x64xf32, #tpu.memory_space<vmem>>, %arg12: memref<2x50x64xf32, #tpu.memory_space<vmem>>, %arg13: memref<2x50x64xf32, #tpu.memory_space<vmem>>, %arg14: memref<!tpu.dma_semaphore, #tpu.memory_space<semaphore_mem>>, %arg15: memref<!tpu.dma_semaphore, #tpu.memory_space<semaphore_mem>>, %arg16: memref<!tpu.dma_semaphore, #tpu.memory_space<semaphore_mem>>, %arg17: memref<!tpu.dma_semaphore, #tpu.memory_space<semaphore_mem>>, %arg18: memref<!tpu.dma_semaphore, #tpu.memory_space<semaphore_mem>>, %arg19: memref<!tpu.dma_semaphore, #tpu.memory_space<semaphore_mem>>, %arg20: memref<!tpu.dma_semaphore, #tpu.memory_space<semaphore_mem>>, %arg21: memref<!tpu.dma_semaphore, #tpu.memory_space<semaphore_mem>>, %arg22: memref<!tpu.dma_semaphore, #tpu.memory_space<semaphore_mem>>, %arg23: memref<!tpu.dma_semaphore, #tpu.memory_space<semaphore_mem>>, %arg24: memref<!tpu.dma_semaphore, #tpu.memory_space<semaphore_mem>>, %arg25: memref<!tpu.dma_semaphore, #tpu.memory_space<semaphore_mem>>, %arg26: memref<!tpu.dma_semaphore, #tpu.memory_space<semaphore_mem>>, %arg27: memref<!tpu.dma_semaphore, #tpu.memory_space<semaphore_mem>>, %arg28: memref<!tpu.dma_semaphore, #tpu.memory_space<semaphore_mem>>, %arg29: memref<!tpu.dma_semaphore, #tpu.memory_space<semaphore_mem>>) attributes {dimension_semantics = [#tpu.dimension_semantics<core_parallel>, #tpu.dimension_semantics<subcore_parallel>], iteration_bounds = array<i64: 2, 16>, scalar_prefetch = 0 : i64, scratch_operands = 25 : i64, tpu.core_type = #tpu.core_type<sc_vector_subcore>, window_params = [{transform_indices = #map}, {transform_indices = #map}, {transform_indices = #map1}]} {
    %mul3A = arith.constant 2 : i32
    %mul3A_0 = arith.muli %arg1, %mul3A : i32
    %add3A = arith.addi %mul3A_0, %arg0 : i32
    %mul3A_1 = arith.constant 512 : i32
    %mul3A_2 = arith.muli %add3A, %mul3A_1 : i32
    "tpu.region"() ({
      %run_scoped3A = tpu.sem_alloc : memref<!tpu.dma_semaphore, #tpu.memory_space<semaphore_mem>>
      %dma_start3A_263 = arith.constant 0 : i32
      %dma_start3A_264 = tpu.memref_slice %arg3[%mul3A_2, %dma_start3A_263] : memref<16384x50xi32, #tpu.memory_space<hbm>> -> memref<512x50xi32, #tpu.memory_space<hbm>>
      %dma_start3A_265 = arith.constant 0 : i32
      %dma_start3A_266 = tpu.memref_slice %arg3[%mul3A_2, %dma_start3A_265] : memref<16384x50xi32, #tpu.memory_space<hbm>> -> memref<512x50xi32, #tpu.memory_space<hbm>>
      tpu.enqueue_dma source(%dma_start3A_266 : memref<512x50xi32, #tpu.memory_space<hbm>>) target(%arg5 : memref<512x50xi32, #tpu.memory_space<vmem>>) target_semaphore(%run_scoped3A : memref<!tpu.dma_semaphore, #tpu.memory_space<semaphore_mem>>)
      %dma_wait3A = arith.constant 0 : i32
      %dma_wait3A_267 = tpu.memref_slice %arg3[%mul3A_2, %dma_wait3A] : memref<16384x50xi32, #tpu.memory_space<hbm>> -> memref<512x50xi32, #tpu.memory_space<hbm>>
      %dma_wait3A_268 = arith.constant 0 : i32
      %dma_wait3A_269 = tpu.memref_slice %arg3[%mul3A_2, %dma_wait3A_268] : memref<16384x50xi32, #tpu.memory_space<hbm>> -> memref<512x50xi32, #tpu.memory_space<hbm>>
      tpu.wait_dma2 semaphore(%run_scoped3A : memref<!tpu.dma_semaphore, #tpu.memory_space<semaphore_mem>>) src(%dma_wait3A_269 : memref<512x50xi32, #tpu.memory_space<hbm>>) dst(%arg5 : memref<512x50xi32, #tpu.memory_space<vmem>>)
      tpu.yield
    }) : () -> ()
    %mul3A_3 = arith.constant 0 : i32
    %mul3A_4 = arith.constant 2 : i32
    %mul3A_5 = arith.muli %mul3A_3, %mul3A_4 : i32
    %add3A_6 = arith.constant 0 : i32
    %add3A_7 = arith.addi %mul3A_5, %add3A_6 : i32
    %dma_start3A = arith.constant 0 : i32
    %dma_start3A_8 = arith.constant 0 : i32
    %dma_start3A_9 = arith.constant 0 : i32
    %dma_start3A_10 = tpu.memref_slice %arg6[%dma_start3A, %dma_start3A_8, %dma_start3A_9] : memref<2x50x64xf32, #tpu.memory_space<vmem>> -> memref<1x50x64xf32, #tpu.memory_space<vmem>>
    %dma_start3A_11 = tpu.memref_squeeze %dma_start3A_10 : memref<1x50x64xf32, #tpu.memory_space<vmem>> -> memref<50x64xf32, #tpu.memory_space<vmem>>
    %dma_start3A_12 = arith.constant 0 : i32
    %dma_start3A_13 = tpu.memref_slice %arg5[%add3A_7, %dma_start3A_12] : memref<512x50xi32, #tpu.memory_space<vmem>> -> memref<1x50xi32, #tpu.memory_space<vmem>>
    %dma_start3A_14 = tpu.memref_squeeze %dma_start3A_13 : memref<1x50xi32, #tpu.memory_space<vmem>> -> memref<50xi32, #tpu.memory_space<vmem>>
    %dma_start3A_15 = arith.constant 0 : i32
    %dma_start3A_16 = arith.constant 0 : i32
    %dma_start3A_17 = tpu.memref_slice %arg2[%dma_start3A_15, %dma_start3A_16] : memref<1000000x64xf32, #tpu.memory_space<hbm>> -> memref<1000000x64xf32, #tpu.memory_space<hbm>>
    tpu.enqueue_indirect_dma source(%dma_start3A_17 : memref<1000000x64xf32, #tpu.memory_space<hbm>>) target(%dma_start3A_11 : memref<50x64xf32, #tpu.memory_space<vmem>>) offsets(%dma_start3A_14 : memref<50xi32, #tpu.memory_space<vmem>>) semaphore(%arg14 : memref<!tpu.dma_semaphore, #tpu.memory_space<semaphore_mem>>)
    %mul3A_18 = arith.constant 0 : i32
    %mul3A_19 = arith.constant 2 : i32
    %mul3A_20 = arith.muli %mul3A_18, %mul3A_19 : i32
    %add3A_21 = arith.constant 1 : i32
    %add3A_22 = arith.addi %mul3A_20, %add3A_21 : i32
    %dma_start3A_23 = arith.constant 1 : i32
    %dma_start3A_24 = arith.constant 0 : i32
    %dma_start3A_25 = arith.constant 0 : i32
    %dma_start3A_26 = tpu.memref_slice %arg6[%dma_start3A_23, %dma_start3A_24, %dma_start3A_25] : memref<2x50x64xf32, #tpu.memory_space<vmem>> -> memref<1x50x64xf32, #tpu.memory_space<vmem>>
    %dma_start3A_27 = tpu.memref_squeeze %dma_start3A_26 : memref<1x50x64xf32, #tpu.memory_space<vmem>> -> memref<50x64xf32, #tpu.memory_space<vmem>>
    %dma_start3A_28 = arith.constant 0 : i32
    %dma_start3A_29 = tpu.memref_slice %arg5[%add3A_22, %dma_start3A_28] : memref<512x50xi32, #tpu.memory_space<vmem>> -> memref<1x50xi32, #tpu.memory_space<vmem>>
    %dma_start3A_30 = tpu.memref_squeeze %dma_start3A_29 : memref<1x50xi32, #tpu.memory_space<vmem>> -> memref<50xi32, #tpu.memory_space<vmem>>
    %dma_start3A_31 = arith.constant 0 : i32
    %dma_start3A_32 = arith.constant 0 : i32
    %dma_start3A_33 = tpu.memref_slice %arg2[%dma_start3A_31, %dma_start3A_32] : memref<1000000x64xf32, #tpu.memory_space<hbm>> -> memref<1000000x64xf32, #tpu.memory_space<hbm>>
    tpu.enqueue_indirect_dma source(%dma_start3A_33 : memref<1000000x64xf32, #tpu.memory_space<hbm>>) target(%dma_start3A_27 : memref<50x64xf32, #tpu.memory_space<vmem>>) offsets(%dma_start3A_30 : memref<50xi32, #tpu.memory_space<vmem>>) semaphore(%arg14 : memref<!tpu.dma_semaphore, #tpu.memory_space<semaphore_mem>>)
    %mul3A_34 = arith.constant 1 : i32
    %mul3A_35 = arith.constant 2 : i32
    %mul3A_36 = arith.muli %mul3A_34, %mul3A_35 : i32
    %add3A_37 = arith.constant 0 : i32
    %add3A_38 = arith.addi %mul3A_36, %add3A_37 : i32
    %dma_start3A_39 = arith.constant 0 : i32
    %dma_start3A_40 = arith.constant 0 : i32
    %dma_start3A_41 = arith.constant 0 : i32
    %dma_start3A_42 = tpu.memref_slice %arg7[%dma_start3A_39, %dma_start3A_40, %dma_start3A_41] : memref<2x50x64xf32, #tpu.memory_space<vmem>> -> memref<1x50x64xf32, #tpu.memory_space<vmem>>
    %dma_start3A_43 = tpu.memref_squeeze %dma_start3A_42 : memref<1x50x64xf32, #tpu.memory_space<vmem>> -> memref<50x64xf32, #tpu.memory_space<vmem>>
    %dma_start3A_44 = arith.constant 0 : i32
    %dma_start3A_45 = tpu.memref_slice %arg5[%add3A_38, %dma_start3A_44] : memref<512x50xi32, #tpu.memory_space<vmem>> -> memref<1x50xi32, #tpu.memory_space<vmem>>
    %dma_start3A_46 = tpu.memref_squeeze %dma_start3A_45 : memref<1x50xi32, #tpu.memory_space<vmem>> -> memref<50xi32, #tpu.memory_space<vmem>>
    %dma_start3A_47 = arith.constant 0 : i32
    %dma_start3A_48 = arith.constant 0 : i32
    %dma_start3A_49 = tpu.memref_slice %arg2[%dma_start3A_47, %dma_start3A_48] : memref<1000000x64xf32, #tpu.memory_space<hbm>> -> memref<1000000x64xf32, #tpu.memory_space<hbm>>
    tpu.enqueue_indirect_dma source(%dma_start3A_49 : memref<1000000x64xf32, #tpu.memory_space<hbm>>) target(%dma_start3A_43 : memref<50x64xf32, #tpu.memory_space<vmem>>) offsets(%dma_start3A_46 : memref<50xi32, #tpu.memory_space<vmem>>) semaphore(%arg15 : memref<!tpu.dma_semaphore, #tpu.memory_space<semaphore_mem>>)
    %mul3A_50 = arith.constant 1 : i32
    %mul3A_51 = arith.constant 2 : i32
    %mul3A_52 = arith.muli %mul3A_50, %mul3A_51 : i32
    %add3A_53 = arith.constant 1 : i32
    %add3A_54 = arith.addi %mul3A_52, %add3A_53 : i32
    %dma_start3A_55 = arith.constant 1 : i32
    %dma_start3A_56 = arith.constant 0 : i32
    %dma_start3A_57 = arith.constant 0 : i32
    %dma_start3A_58 = tpu.memref_slice %arg7[%dma_start3A_55, %dma_start3A_56, %dma_start3A_57] : memref<2x50x64xf32, #tpu.memory_space<vmem>> -> memref<1x50x64xf32, #tpu.memory_space<vmem>>
    %dma_start3A_59 = tpu.memref_squeeze %dma_start3A_58 : memref<1x50x64xf32, #tpu.memory_space<vmem>> -> memref<50x64xf32, #tpu.memory_space<vmem>>
    %dma_start3A_60 = arith.constant 0 : i32
    %dma_start3A_61 = tpu.memref_slice %arg5[%add3A_54, %dma_start3A_60] : memref<512x50xi32, #tpu.memory_space<vmem>> -> memref<1x50xi32, #tpu.memory_space<vmem>>
    %dma_start3A_62 = tpu.memref_squeeze %dma_start3A_61 : memref<1x50xi32, #tpu.memory_space<vmem>> -> memref<50xi32, #tpu.memory_space<vmem>>
    %dma_start3A_63 = arith.constant 0 : i32
    %dma_start3A_64 = arith.constant 0 : i32
    %dma_start3A_65 = tpu.memref_slice %arg2[%dma_start3A_63, %dma_start3A_64] : memref<1000000x64xf32, #tpu.memory_space<hbm>> -> memref<1000000x64xf32, #tpu.memory_space<hbm>>
    tpu.enqueue_indirect_dma source(%dma_start3A_65 : memref<1000000x64xf32, #tpu.memory_space<hbm>>) target(%dma_start3A_59 : memref<50x64xf32, #tpu.memory_space<vmem>>) offsets(%dma_start3A_62 : memref<50xi32, #tpu.memory_space<vmem>>) semaphore(%arg15 : memref<!tpu.dma_semaphore, #tpu.memory_space<semaphore_mem>>)
    %mul3A_66 = arith.constant 2 : i32
    %mul3A_67 = arith.constant 2 : i32
    %mul3A_68 = arith.muli %mul3A_66, %mul3A_67 : i32
    %add3A_69 = arith.constant 0 : i32
    %add3A_70 = arith.addi %mul3A_68, %add3A_69 : i32
    %dma_start3A_71 = arith.constant 0 : i32
    %dma_start3A_72 = arith.constant 0 : i32
    %dma_start3A_73 = arith.constant 0 : i32
    %dma_start3A_74 = tpu.memref_slice %arg8[%dma_start3A_71, %dma_start3A_72, %dma_start3A_73] : memref<2x50x64xf32, #tpu.memory_space<vmem>> -> memref<1x50x64xf32, #tpu.memory_space<vmem>>
    %dma_start3A_75 = tpu.memref_squeeze %dma_start3A_74 : memref<1x50x64xf32, #tpu.memory_space<vmem>> -> memref<50x64xf32, #tpu.memory_space<vmem>>
    %dma_start3A_76 = arith.constant 0 : i32
    %dma_start3A_77 = tpu.memref_slice %arg5[%add3A_70, %dma_start3A_76] : memref<512x50xi32, #tpu.memory_space<vmem>> -> memref<1x50xi32, #tpu.memory_space<vmem>>
    %dma_start3A_78 = tpu.memref_squeeze %dma_start3A_77 : memref<1x50xi32, #tpu.memory_space<vmem>> -> memref<50xi32, #tpu.memory_space<vmem>>
    %dma_start3A_79 = arith.constant 0 : i32
    %dma_start3A_80 = arith.constant 0 : i32
    %dma_start3A_81 = tpu.memref_slice %arg2[%dma_start3A_79, %dma_start3A_80] : memref<1000000x64xf32, #tpu.memory_space<hbm>> -> memref<1000000x64xf32, #tpu.memory_space<hbm>>
    tpu.enqueue_indirect_dma source(%dma_start3A_81 : memref<1000000x64xf32, #tpu.memory_space<hbm>>) target(%dma_start3A_75 : memref<50x64xf32, #tpu.memory_space<vmem>>) offsets(%dma_start3A_78 : memref<50xi32, #tpu.memory_space<vmem>>) semaphore(%arg16 : memref<!tpu.dma_semaphore, #tpu.memory_space<semaphore_mem>>)
    %mul3A_82 = arith.constant 2 : i32
    %mul3A_83 = arith.constant 2 : i32
    %mul3A_84 = arith.muli %mul3A_82, %mul3A_83 : i32
    %add3A_85 = arith.constant 1 : i32
    %add3A_86 = arith.addi %mul3A_84, %add3A_85 : i32
    %dma_start3A_87 = arith.constant 1 : i32
    %dma_start3A_88 = arith.constant 0 : i32
    %dma_start3A_89 = arith.constant 0 : i32
    %dma_start3A_90 = tpu.memref_slice %arg8[%dma_start3A_87, %dma_start3A_88, %dma_start3A_89] : memref<2x50x64xf32, #tpu.memory_space<vmem>> -> memref<1x50x64xf32, #tpu.memory_space<vmem>>
    %dma_start3A_91 = tpu.memref_squeeze %dma_start3A_90 : memref<1x50x64xf32, #tpu.memory_space<vmem>> -> memref<50x64xf32, #tpu.memory_space<vmem>>
    %dma_start3A_92 = arith.constant 0 : i32
    %dma_start3A_93 = tpu.memref_slice %arg5[%add3A_86, %dma_start3A_92] : memref<512x50xi32, #tpu.memory_space<vmem>> -> memref<1x50xi32, #tpu.memory_space<vmem>>
    %dma_start3A_94 = tpu.memref_squeeze %dma_start3A_93 : memref<1x50xi32, #tpu.memory_space<vmem>> -> memref<50xi32, #tpu.memory_space<vmem>>
    %dma_start3A_95 = arith.constant 0 : i32
    %dma_start3A_96 = arith.constant 0 : i32
    %dma_start3A_97 = tpu.memref_slice %arg2[%dma_start3A_95, %dma_start3A_96] : memref<1000000x64xf32, #tpu.memory_space<hbm>> -> memref<1000000x64xf32, #tpu.memory_space<hbm>>
    tpu.enqueue_indirect_dma source(%dma_start3A_97 : memref<1000000x64xf32, #tpu.memory_space<hbm>>) target(%dma_start3A_91 : memref<50x64xf32, #tpu.memory_space<vmem>>) offsets(%dma_start3A_94 : memref<50xi32, #tpu.memory_space<vmem>>) semaphore(%arg16 : memref<!tpu.dma_semaphore, #tpu.memory_space<semaphore_mem>>)
    %mul3A_98 = arith.constant 3 : i32
    %mul3A_99 = arith.constant 2 : i32
    %mul3A_100 = arith.muli %mul3A_98, %mul3A_99 : i32
    %add3A_101 = arith.constant 0 : i32
    %add3A_102 = arith.addi %mul3A_100, %add3A_101 : i32
    %dma_start3A_103 = arith.constant 0 : i32
    %dma_start3A_104 = arith.constant 0 : i32
    %dma_start3A_105 = arith.constant 0 : i32
    %dma_start3A_106 = tpu.memref_slice %arg9[%dma_start3A_103, %dma_start3A_104, %dma_start3A_105] : memref<2x50x64xf32, #tpu.memory_space<vmem>> -> memref<1x50x64xf32, #tpu.memory_space<vmem>>
    %dma_start3A_107 = tpu.memref_squeeze %dma_start3A_106 : memref<1x50x64xf32, #tpu.memory_space<vmem>> -> memref<50x64xf32, #tpu.memory_space<vmem>>
    %dma_start3A_108 = arith.constant 0 : i32
    %dma_start3A_109 = tpu.memref_slice %arg5[%add3A_102, %dma_start3A_108] : memref<512x50xi32, #tpu.memory_space<vmem>> -> memref<1x50xi32, #tpu.memory_space<vmem>>
    %dma_start3A_110 = tpu.memref_squeeze %dma_start3A_109 : memref<1x50xi32, #tpu.memory_space<vmem>> -> memref<50xi32, #tpu.memory_space<vmem>>
    %dma_start3A_111 = arith.constant 0 : i32
    %dma_start3A_112 = arith.constant 0 : i32
    %dma_start3A_113 = tpu.memref_slice %arg2[%dma_start3A_111, %dma_start3A_112] : memref<1000000x64xf32, #tpu.memory_space<hbm>> -> memref<1000000x64xf32, #tpu.memory_space<hbm>>
    tpu.enqueue_indirect_dma source(%dma_start3A_113 : memref<1000000x64xf32, #tpu.memory_space<hbm>>) target(%dma_start3A_107 : memref<50x64xf32, #tpu.memory_space<vmem>>) offsets(%dma_start3A_110 : memref<50xi32, #tpu.memory_space<vmem>>) semaphore(%arg17 : memref<!tpu.dma_semaphore, #tpu.memory_space<semaphore_mem>>)
    %mul3A_114 = arith.constant 3 : i32
    %mul3A_115 = arith.constant 2 : i32
    %mul3A_116 = arith.muli %mul3A_114, %mul3A_115 : i32
    %add3A_117 = arith.constant 1 : i32
    %add3A_118 = arith.addi %mul3A_116, %add3A_117 : i32
    %dma_start3A_119 = arith.constant 1 : i32
    %dma_start3A_120 = arith.constant 0 : i32
    %dma_start3A_121 = arith.constant 0 : i32
    %dma_start3A_122 = tpu.memref_slice %arg9[%dma_start3A_119, %dma_start3A_120, %dma_start3A_121] : memref<2x50x64xf32, #tpu.memory_space<vmem>> -> memref<1x50x64xf32, #tpu.memory_space<vmem>>
    %dma_start3A_123 = tpu.memref_squeeze %dma_start3A_122 : memref<1x50x64xf32, #tpu.memory_space<vmem>> -> memref<50x64xf32, #tpu.memory_space<vmem>>
    %dma_start3A_124 = arith.constant 0 : i32
    %dma_start3A_125 = tpu.memref_slice %arg5[%add3A_118, %dma_start3A_124] : memref<512x50xi32, #tpu.memory_space<vmem>> -> memref<1x50xi32, #tpu.memory_space<vmem>>
    %dma_start3A_126 = tpu.memref_squeeze %dma_start3A_125 : memref<1x50xi32, #tpu.memory_space<vmem>> -> memref<50xi32, #tpu.memory_space<vmem>>
    %dma_start3A_127 = arith.constant 0 : i32
    %dma_start3A_128 = arith.constant 0 : i32
    %dma_start3A_129 = tpu.memref_slice %arg2[%dma_start3A_127, %dma_start3A_128] : memref<1000000x64xf32, #tpu.memory_space<hbm>> -> memref<1000000x64xf32, #tpu.memory_space<hbm>>
    tpu.enqueue_indirect_dma source(%dma_start3A_129 : memref<1000000x64xf32, #tpu.memory_space<hbm>>) target(%dma_start3A_123 : memref<50x64xf32, #tpu.memory_space<vmem>>) offsets(%dma_start3A_126 : memref<50xi32, #tpu.memory_space<vmem>>) semaphore(%arg17 : memref<!tpu.dma_semaphore, #tpu.memory_space<semaphore_mem>>)
    %mul3A_130 = arith.constant 4 : i32
    %mul3A_131 = arith.constant 2 : i32
    %mul3A_132 = arith.muli %mul3A_130, %mul3A_131 : i32
    %add3A_133 = arith.constant 0 : i32
    %add3A_134 = arith.addi %mul3A_132, %add3A_133 : i32
    %dma_start3A_135 = arith.constant 0 : i32
    %dma_start3A_136 = arith.constant 0 : i32
    %dma_start3A_137 = arith.constant 0 : i32
    %dma_start3A_138 = tpu.memref_slice %arg10[%dma_start3A_135, %dma_start3A_136, %dma_start3A_137] : memref<2x50x64xf32, #tpu.memory_space<vmem>> -> memref<1x50x64xf32, #tpu.memory_space<vmem>>
    %dma_start3A_139 = tpu.memref_squeeze %dma_start3A_138 : memref<1x50x64xf32, #tpu.memory_space<vmem>> -> memref<50x64xf32, #tpu.memory_space<vmem>>
    %dma_start3A_140 = arith.constant 0 : i32
    %dma_start3A_141 = tpu.memref_slice %arg5[%add3A_134, %dma_start3A_140] : memref<512x50xi32, #tpu.memory_space<vmem>> -> memref<1x50xi32, #tpu.memory_space<vmem>>
    %dma_start3A_142 = tpu.memref_squeeze %dma_start3A_141 : memref<1x50xi32, #tpu.memory_space<vmem>> -> memref<50xi32, #tpu.memory_space<vmem>>
    %dma_start3A_143 = arith.constant 0 : i32
    %dma_start3A_144 = arith.constant 0 : i32
    %dma_start3A_145 = tpu.memref_slice %arg2[%dma_start3A_143, %dma_start3A_144] : memref<1000000x64xf32, #tpu.memory_space<hbm>> -> memref<1000000x64xf32, #tpu.memory_space<hbm>>
    tpu.enqueue_indirect_dma source(%dma_start3A_145 : memref<1000000x64xf32, #tpu.memory_space<hbm>>) target(%dma_start3A_139 : memref<50x64xf32, #tpu.memory_space<vmem>>) offsets(%dma_start3A_142 : memref<50xi32, #tpu.memory_space<vmem>>) semaphore(%arg18 : memref<!tpu.dma_semaphore, #tpu.memory_space<semaphore_mem>>)
    %mul3A_146 = arith.constant 4 : i32
    %mul3A_147 = arith.constant 2 : i32
    %mul3A_148 = arith.muli %mul3A_146, %mul3A_147 : i32
    %add3A_149 = arith.constant 1 : i32
    %add3A_150 = arith.addi %mul3A_148, %add3A_149 : i32
    %dma_start3A_151 = arith.constant 1 : i32
    %dma_start3A_152 = arith.constant 0 : i32
    %dma_start3A_153 = arith.constant 0 : i32
    %dma_start3A_154 = tpu.memref_slice %arg10[%dma_start3A_151, %dma_start3A_152, %dma_start3A_153] : memref<2x50x64xf32, #tpu.memory_space<vmem>> -> memref<1x50x64xf32, #tpu.memory_space<vmem>>
    %dma_start3A_155 = tpu.memref_squeeze %dma_start3A_154 : memref<1x50x64xf32, #tpu.memory_space<vmem>> -> memref<50x64xf32, #tpu.memory_space<vmem>>
    %dma_start3A_156 = arith.constant 0 : i32
    %dma_start3A_157 = tpu.memref_slice %arg5[%add3A_150, %dma_start3A_156] : memref<512x50xi32, #tpu.memory_space<vmem>> -> memref<1x50xi32, #tpu.memory_space<vmem>>
    %dma_start3A_158 = tpu.memref_squeeze %dma_start3A_157 : memref<1x50xi32, #tpu.memory_space<vmem>> -> memref<50xi32, #tpu.memory_space<vmem>>
    %dma_start3A_159 = arith.constant 0 : i32
    %dma_start3A_160 = arith.constant 0 : i32
    %dma_start3A_161 = tpu.memref_slice %arg2[%dma_start3A_159, %dma_start3A_160] : memref<1000000x64xf32, #tpu.memory_space<hbm>> -> memref<1000000x64xf32, #tpu.memory_space<hbm>>
    tpu.enqueue_indirect_dma source(%dma_start3A_161 : memref<1000000x64xf32, #tpu.memory_space<hbm>>) target(%dma_start3A_155 : memref<50x64xf32, #tpu.memory_space<vmem>>) offsets(%dma_start3A_158 : memref<50xi32, #tpu.memory_space<vmem>>) semaphore(%arg18 : memref<!tpu.dma_semaphore, #tpu.memory_space<semaphore_mem>>)
    %mul3A_162 = arith.constant 5 : i32
    %mul3A_163 = arith.constant 2 : i32
    %mul3A_164 = arith.muli %mul3A_162, %mul3A_163 : i32
    %add3A_165 = arith.constant 0 : i32
    %add3A_166 = arith.addi %mul3A_164, %add3A_165 : i32
    %dma_start3A_167 = arith.constant 0 : i32
    %dma_start3A_168 = arith.constant 0 : i32
    %dma_start3A_169 = arith.constant 0 : i32
    %dma_start3A_170 = tpu.memref_slice %arg11[%dma_start3A_167, %dma_start3A_168, %dma_start3A_169] : memref<2x50x64xf32, #tpu.memory_space<vmem>> -> memref<1x50x64xf32, #tpu.memory_space<vmem>>
    %dma_start3A_171 = tpu.memref_squeeze %dma_start3A_170 : memref<1x50x64xf32, #tpu.memory_space<vmem>> -> memref<50x64xf32, #tpu.memory_space<vmem>>
    %dma_start3A_172 = arith.constant 0 : i32
    %dma_start3A_173 = tpu.memref_slice %arg5[%add3A_166, %dma_start3A_172] : memref<512x50xi32, #tpu.memory_space<vmem>> -> memref<1x50xi32, #tpu.memory_space<vmem>>
    %dma_start3A_174 = tpu.memref_squeeze %dma_start3A_173 : memref<1x50xi32, #tpu.memory_space<vmem>> -> memref<50xi32, #tpu.memory_space<vmem>>
    %dma_start3A_175 = arith.constant 0 : i32
    %dma_start3A_176 = arith.constant 0 : i32
    %dma_start3A_177 = tpu.memref_slice %arg2[%dma_start3A_175, %dma_start3A_176] : memref<1000000x64xf32, #tpu.memory_space<hbm>> -> memref<1000000x64xf32, #tpu.memory_space<hbm>>
    tpu.enqueue_indirect_dma source(%dma_start3A_177 : memref<1000000x64xf32, #tpu.memory_space<hbm>>) target(%dma_start3A_171 : memref<50x64xf32, #tpu.memory_space<vmem>>) offsets(%dma_start3A_174 : memref<50xi32, #tpu.memory_space<vmem>>) semaphore(%arg19 : memref<!tpu.dma_semaphore, #tpu.memory_space<semaphore_mem>>)
    %mul3A_178 = arith.constant 5 : i32
    %mul3A_179 = arith.constant 2 : i32
    %mul3A_180 = arith.muli %mul3A_178, %mul3A_179 : i32
    %add3A_181 = arith.constant 1 : i32
    %add3A_182 = arith.addi %mul3A_180, %add3A_181 : i32
    %dma_start3A_183 = arith.constant 1 : i32
    %dma_start3A_184 = arith.constant 0 : i32
    %dma_start3A_185 = arith.constant 0 : i32
    %dma_start3A_186 = tpu.memref_slice %arg11[%dma_start3A_183, %dma_start3A_184, %dma_start3A_185] : memref<2x50x64xf32, #tpu.memory_space<vmem>> -> memref<1x50x64xf32, #tpu.memory_space<vmem>>
    %dma_start3A_187 = tpu.memref_squeeze %dma_start3A_186 : memref<1x50x64xf32, #tpu.memory_space<vmem>> -> memref<50x64xf32, #tpu.memory_space<vmem>>
    %dma_start3A_188 = arith.constant 0 : i32
    %dma_start3A_189 = tpu.memref_slice %arg5[%add3A_182, %dma_start3A_188] : memref<512x50xi32, #tpu.memory_space<vmem>> -> memref<1x50xi32, #tpu.memory_space<vmem>>
    %dma_start3A_190 = tpu.memref_squeeze %dma_start3A_189 : memref<1x50xi32, #tpu.memory_space<vmem>> -> memref<50xi32, #tpu.memory_space<vmem>>
    %dma_start3A_191 = arith.constant 0 : i32
    %dma_start3A_192 = arith.constant 0 : i32
    %dma_start3A_193 = tpu.memref_slice %arg2[%dma_start3A_191, %dma_start3A_192] : memref<1000000x64xf32, #tpu.memory_space<hbm>> -> memref<1000000x64xf32, #tpu.memory_space<hbm>>
    tpu.enqueue_indirect_dma source(%dma_start3A_193 : memref<1000000x64xf32, #tpu.memory_space<hbm>>) target(%dma_start3A_187 : memref<50x64xf32, #tpu.memory_space<vmem>>) offsets(%dma_start3A_190 : memref<50xi32, #tpu.memory_space<vmem>>) semaphore(%arg19 : memref<!tpu.dma_semaphore, #tpu.memory_space<semaphore_mem>>)
    %mul3A_194 = arith.constant 6 : i32
    %mul3A_195 = arith.constant 2 : i32
    %mul3A_196 = arith.muli %mul3A_194, %mul3A_195 : i32
    %add3A_197 = arith.constant 0 : i32
    %add3A_198 = arith.addi %mul3A_196, %add3A_197 : i32
    %dma_start3A_199 = arith.constant 0 : i32
    %dma_start3A_200 = arith.constant 0 : i32
    %dma_start3A_201 = arith.constant 0 : i32
    %dma_start3A_202 = tpu.memref_slice %arg12[%dma_start3A_199, %dma_start3A_200, %dma_start3A_201] : memref<2x50x64xf32, #tpu.memory_space<vmem>> -> memref<1x50x64xf32, #tpu.memory_space<vmem>>
    %dma_start3A_203 = tpu.memref_squeeze %dma_start3A_202 : memref<1x50x64xf32, #tpu.memory_space<vmem>> -> memref<50x64xf32, #tpu.memory_space<vmem>>
    %dma_start3A_204 = arith.constant 0 : i32
    %dma_start3A_205 = tpu.memref_slice %arg5[%add3A_198, %dma_start3A_204] : memref<512x50xi32, #tpu.memory_space<vmem>> -> memref<1x50xi32, #tpu.memory_space<vmem>>
    %dma_start3A_206 = tpu.memref_squeeze %dma_start3A_205 : memref<1x50xi32, #tpu.memory_space<vmem>> -> memref<50xi32, #tpu.memory_space<vmem>>
    %dma_start3A_207 = arith.constant 0 : i32
    %dma_start3A_208 = arith.constant 0 : i32
    %dma_start3A_209 = tpu.memref_slice %arg2[%dma_start3A_207, %dma_start3A_208] : memref<1000000x64xf32, #tpu.memory_space<hbm>> -> memref<1000000x64xf32, #tpu.memory_space<hbm>>
    tpu.enqueue_indirect_dma source(%dma_start3A_209 : memref<1000000x64xf32, #tpu.memory_space<hbm>>) target(%dma_start3A_203 : memref<50x64xf32, #tpu.memory_space<vmem>>) offsets(%dma_start3A_206 : memref<50xi32, #tpu.memory_space<vmem>>) semaphore(%arg20 : memref<!tpu.dma_semaphore, #tpu.memory_space<semaphore_mem>>)
    %mul3A_210 = arith.constant 6 : i32
    %mul3A_211 = arith.constant 2 : i32
    %mul3A_212 = arith.muli %mul3A_210, %mul3A_211 : i32
    %add3A_213 = arith.constant 1 : i32
    %add3A_214 = arith.addi %mul3A_212, %add3A_213 : i32
    %dma_start3A_215 = arith.constant 1 : i32
    %dma_start3A_216 = arith.constant 0 : i32
    %dma_start3A_217 = arith.constant 0 : i32
    %dma_start3A_218 = tpu.memref_slice %arg12[%dma_start3A_215, %dma_start3A_216, %dma_start3A_217] : memref<2x50x64xf32, #tpu.memory_space<vmem>> -> memref<1x50x64xf32, #tpu.memory_space<vmem>>
    %dma_start3A_219 = tpu.memref_squeeze %dma_start3A_218 : memref<1x50x64xf32, #tpu.memory_space<vmem>> -> memref<50x64xf32, #tpu.memory_space<vmem>>
    %dma_start3A_220 = arith.constant 0 : i32
    %dma_start3A_221 = tpu.memref_slice %arg5[%add3A_214, %dma_start3A_220] : memref<512x50xi32, #tpu.memory_space<vmem>> -> memref<1x50xi32, #tpu.memory_space<vmem>>
    %dma_start3A_222 = tpu.memref_squeeze %dma_start3A_221 : memref<1x50xi32, #tpu.memory_space<vmem>> -> memref<50xi32, #tpu.memory_space<vmem>>
    %dma_start3A_223 = arith.constant 0 : i32
    %dma_start3A_224 = arith.constant 0 : i32
    %dma_start3A_225 = tpu.memref_slice %arg2[%dma_start3A_223, %dma_start3A_224] : memref<1000000x64xf32, #tpu.memory_space<hbm>> -> memref<1000000x64xf32, #tpu.memory_space<hbm>>
    tpu.enqueue_indirect_dma source(%dma_start3A_225 : memref<1000000x64xf32, #tpu.memory_space<hbm>>) target(%dma_start3A_219 : memref<50x64xf32, #tpu.memory_space<vmem>>) offsets(%dma_start3A_222 : memref<50xi32, #tpu.memory_space<vmem>>) semaphore(%arg20 : memref<!tpu.dma_semaphore, #tpu.memory_space<semaphore_mem>>)
    %mul3A_226 = arith.constant 7 : i32
    %mul3A_227 = arith.constant 2 : i32
    %mul3A_228 = arith.muli %mul3A_226, %mul3A_227 : i32
    %add3A_229 = arith.constant 0 : i32
    %add3A_230 = arith.addi %mul3A_228, %add3A_229 : i32
    %dma_start3A_231 = arith.constant 0 : i32
    %dma_start3A_232 = arith.constant 0 : i32
    %dma_start3A_233 = arith.constant 0 : i32
    %dma_start3A_234 = tpu.memref_slice %arg13[%dma_start3A_231, %dma_start3A_232, %dma_start3A_233] : memref<2x50x64xf32, #tpu.memory_space<vmem>> -> memref<1x50x64xf32, #tpu.memory_space<vmem>>
    %dma_start3A_235 = tpu.memref_squeeze %dma_start3A_234 : memref<1x50x64xf32, #tpu.memory_space<vmem>> -> memref<50x64xf32, #tpu.memory_space<vmem>>
    %dma_start3A_236 = arith.constant 0 : i32
    %dma_start3A_237 = tpu.memref_slice %arg5[%add3A_230, %dma_start3A_236] : memref<512x50xi32, #tpu.memory_space<vmem>> -> memref<1x50xi32, #tpu.memory_space<vmem>>
    %dma_start3A_238 = tpu.memref_squeeze %dma_start3A_237 : memref<1x50xi32, #tpu.memory_space<vmem>> -> memref<50xi32, #tpu.memory_space<vmem>>
    %dma_start3A_239 = arith.constant 0 : i32
    %dma_start3A_240 = arith.constant 0 : i32
    %dma_start3A_241 = tpu.memref_slice %arg2[%dma_start3A_239, %dma_start3A_240] : memref<1000000x64xf32, #tpu.memory_space<hbm>> -> memref<1000000x64xf32, #tpu.memory_space<hbm>>
    tpu.enqueue_indirect_dma source(%dma_start3A_241 : memref<1000000x64xf32, #tpu.memory_space<hbm>>) target(%dma_start3A_235 : memref<50x64xf32, #tpu.memory_space<vmem>>) offsets(%dma_start3A_238 : memref<50xi32, #tpu.memory_space<vmem>>) semaphore(%arg21 : memref<!tpu.dma_semaphore, #tpu.memory_space<semaphore_mem>>)
    %mul3A_242 = arith.constant 7 : i32
    %mul3A_243 = arith.constant 2 : i32
    %mul3A_244 = arith.muli %mul3A_242, %mul3A_243 : i32
    %add3A_245 = arith.constant 1 : i32
    %add3A_246 = arith.addi %mul3A_244, %add3A_245 : i32
    %dma_start3A_247 = arith.constant 1 : i32
    %dma_start3A_248 = arith.constant 0 : i32
    %dma_start3A_249 = arith.constant 0 : i32
    %dma_start3A_250 = tpu.memref_slice %arg13[%dma_start3A_247, %dma_start3A_248, %dma_start3A_249] : memref<2x50x64xf32, #tpu.memory_space<vmem>> -> memref<1x50x64xf32, #tpu.memory_space<vmem>>
    %dma_start3A_251 = tpu.memref_squeeze %dma_start3A_250 : memref<1x50x64xf32, #tpu.memory_space<vmem>> -> memref<50x64xf32, #tpu.memory_space<vmem>>
    %dma_start3A_252 = arith.constant 0 : i32
    %dma_start3A_253 = tpu.memref_slice %arg5[%add3A_246, %dma_start3A_252] : memref<512x50xi32, #tpu.memory_space<vmem>> -> memref<1x50xi32, #tpu.memory_space<vmem>>
    %dma_start3A_254 = tpu.memref_squeeze %dma_start3A_253 : memref<1x50xi32, #tpu.memory_space<vmem>> -> memref<50xi32, #tpu.memory_space<vmem>>
    %dma_start3A_255 = arith.constant 0 : i32
    %dma_start3A_256 = arith.constant 0 : i32
    %dma_start3A_257 = tpu.memref_slice %arg2[%dma_start3A_255, %dma_start3A_256] : memref<1000000x64xf32, #tpu.memory_space<hbm>> -> memref<1000000x64xf32, #tpu.memory_space<hbm>>
    tpu.enqueue_indirect_dma source(%dma_start3A_257 : memref<1000000x64xf32, #tpu.memory_space<hbm>>) target(%dma_start3A_251 : memref<50x64xf32, #tpu.memory_space<vmem>>) offsets(%dma_start3A_254 : memref<50xi32, #tpu.memory_space<vmem>>) semaphore(%arg21 : memref<!tpu.dma_semaphore, #tpu.memory_space<semaphore_mem>>)
    %scan3A = arith.constant 0 : i32
    %scan3A_258 = arith.constant 0 : i32
    %scan3A_259 = arith.constant 32 : i32
    %scan3A_260 = arith.addi %scan3A_258, %scan3A_259 : i32
    %scan3A_261 = arith.constant 1 : i32
    scf.for %scan3A_263 = %scan3A_258 to %scan3A_260 step %scan3A_261  : i32 {
      %mul3A_264 = arith.constant 8 : i32
      %mul3A_265 = arith.muli %scan3A_263, %mul3A_264 : i32
      %add3A_266 = arith.constant 0 : i32
      %add3A_267 = arith.addi %mul3A_265, %add3A_266 : i32
      %mul3A_268 = arith.constant 2 : i32
      %mul3A_269 = arith.muli %add3A_267, %mul3A_268 : i32
      %add3A_270 = arith.constant 0 : i32
      %add3A_271 = arith.addi %mul3A_269, %add3A_270 : i32
      %dma_wait3A = arith.constant 0 : i32
      %dma_wait3A_272 = arith.constant 0 : i32
      %dma_wait3A_273 = arith.constant 0 : i32
      %dma_wait3A_274 = tpu.memref_slice %arg6[%dma_wait3A, %dma_wait3A_272, %dma_wait3A_273] : memref<2x50x64xf32, #tpu.memory_space<vmem>> -> memref<1x50x64xf32, #tpu.memory_space<vmem>>
      %dma_wait3A_275 = tpu.memref_squeeze %dma_wait3A_274 : memref<1x50x64xf32, #tpu.memory_space<vmem>> -> memref<50x64xf32, #tpu.memory_space<vmem>>
      %dma_wait3A_276 = arith.constant 0 : i32
      %dma_wait3A_277 = tpu.memref_slice %arg5[%add3A_271, %dma_wait3A_276] : memref<512x50xi32, #tpu.memory_space<vmem>> -> memref<1x50xi32, #tpu.memory_space<vmem>>
      %dma_wait3A_278 = tpu.memref_squeeze %dma_wait3A_277 : memref<1x50xi32, #tpu.memory_space<vmem>> -> memref<50xi32, #tpu.memory_space<vmem>>
      %dma_wait3A_279 = arith.constant 0 : i32
      %dma_wait3A_280 = arith.constant 0 : i32
      %dma_wait3A_281 = tpu.memref_slice %arg2[%dma_wait3A_279, %dma_wait3A_280] : memref<1000000x64xf32, #tpu.memory_space<hbm>> -> memref<1000000x64xf32, #tpu.memory_space<hbm>>
      tpu.wait_indirect_dma semaphore(%arg14 : memref<!tpu.dma_semaphore, #tpu.memory_space<semaphore_mem>>) src(%dma_wait3A_281 : memref<1000000x64xf32, #tpu.memory_space<hbm>>) dst(%dma_wait3A_275 : memref<50x64xf32, #tpu.memory_space<vmem>>)
      %mul3A_282 = arith.constant 2 : i32
      %mul3A_283 = arith.muli %add3A_267, %mul3A_282 : i32
      %add3A_284 = arith.constant 1 : i32
      %add3A_285 = arith.addi %mul3A_283, %add3A_284 : i32
      %dma_wait3A_286 = arith.constant 1 : i32
      %dma_wait3A_287 = arith.constant 0 : i32
      %dma_wait3A_288 = arith.constant 0 : i32
      %dma_wait3A_289 = tpu.memref_slice %arg6[%dma_wait3A_286, %dma_wait3A_287, %dma_wait3A_288] : memref<2x50x64xf32, #tpu.memory_space<vmem>> -> memref<1x50x64xf32, #tpu.memory_space<vmem>>
      %dma_wait3A_290 = tpu.memref_squeeze %dma_wait3A_289 : memref<1x50x64xf32, #tpu.memory_space<vmem>> -> memref<50x64xf32, #tpu.memory_space<vmem>>
      %dma_wait3A_291 = arith.constant 0 : i32
      %dma_wait3A_292 = tpu.memref_slice %arg5[%add3A_285, %dma_wait3A_291] : memref<512x50xi32, #tpu.memory_space<vmem>> -> memref<1x50xi32, #tpu.memory_space<vmem>>
      %dma_wait3A_293 = tpu.memref_squeeze %dma_wait3A_292 : memref<1x50xi32, #tpu.memory_space<vmem>> -> memref<50xi32, #tpu.memory_space<vmem>>
      %dma_wait3A_294 = arith.constant 0 : i32
      %dma_wait3A_295 = arith.constant 0 : i32
      %dma_wait3A_296 = tpu.memref_slice %arg2[%dma_wait3A_294, %dma_wait3A_295] : memref<1000000x64xf32, #tpu.memory_space<hbm>> -> memref<1000000x64xf32, #tpu.memory_space<hbm>>
      tpu.wait_indirect_dma semaphore(%arg14 : memref<!tpu.dma_semaphore, #tpu.memory_space<semaphore_mem>>) src(%dma_wait3A_296 : memref<1000000x64xf32, #tpu.memory_space<hbm>>) dst(%dma_wait3A_290 : memref<50x64xf32, #tpu.memory_space<vmem>>)
      %mul3A_297 = arith.constant 2 : i32
      %mul3A_298 = arith.muli %add3A_267, %mul3A_297 : i32
      %add3A_299 = arith.addi %mul3A_2, %mul3A_298 : i32
      %dma_start3A_300 = arith.constant 0 : i32
      %dma_start3A_301 = arith.constant 0 : i32
      %dma_start3A_302 = tpu.memref_slice %arg4[%add3A_299, %dma_start3A_300, %dma_start3A_301] : memref<16384x50x64xf32, #tpu.memory_space<hbm>> -> memref<2x50x64xf32, #tpu.memory_space<hbm>>
      %dma_start3A_303 = arith.constant 0 : i32
      %dma_start3A_304 = arith.constant 0 : i32
      %dma_start3A_305 = tpu.memref_slice %arg4[%add3A_299, %dma_start3A_303, %dma_start3A_304] : memref<16384x50x64xf32, #tpu.memory_space<hbm>> -> memref<2x50x64xf32, #tpu.memory_space<hbm>>
      tpu.enqueue_dma source(%arg6 : memref<2x50x64xf32, #tpu.memory_space<vmem>>) target(%dma_start3A_305 : memref<2x50x64xf32, #tpu.memory_space<hbm>>) target_semaphore(%arg22 : memref<!tpu.dma_semaphore, #tpu.memory_space<semaphore_mem>>)
      %dma_wait3A_306 = arith.constant 0 : i32
      %dma_wait3A_307 = arith.constant 0 : i32
      %dma_wait3A_308 = tpu.memref_slice %arg4[%add3A_299, %dma_wait3A_306, %dma_wait3A_307] : memref<16384x50x64xf32, #tpu.memory_space<hbm>> -> memref<2x50x64xf32, #tpu.memory_space<hbm>>
      %dma_wait3A_309 = arith.constant 0 : i32
      %dma_wait3A_310 = arith.constant 0 : i32
      %dma_wait3A_311 = tpu.memref_slice %arg4[%add3A_299, %dma_wait3A_309, %dma_wait3A_310] : memref<16384x50x64xf32, #tpu.memory_space<hbm>> -> memref<2x50x64xf32, #tpu.memory_space<hbm>>
      tpu.wait_dma2 semaphore(%arg22 : memref<!tpu.dma_semaphore, #tpu.memory_space<semaphore_mem>>) src(%arg6 : memref<2x50x64xf32, #tpu.memory_space<vmem>>) dst(%dma_wait3A_311 : memref<2x50x64xf32, #tpu.memory_space<hbm>>)
      %lt3A = arith.constant 31 : i32
      %lt3A_312 = arith.cmpi slt, %scan3A_263, %lt3A : i32
      %convert_element_type3A = arith.extui %lt3A_312 : i1 to i32
      %cond3A = arith.constant 0 : i32
      %cond3A_313 = arith.cmpi ne, %convert_element_type3A, %cond3A : i32
      scf.if %cond3A_313 {
        %add3A_678 = arith.constant 8 : i32
        %add3A_679 = arith.addi %add3A_267, %add3A_678 : i32
        %mul3A_680 = arith.constant 2 : i32
        %mul3A_681 = arith.muli %add3A_679, %mul3A_680 : i32
        %add3A_682 = arith.constant 0 : i32
        %add3A_683 = arith.addi %mul3A_681, %add3A_682 : i32
        %dma_start3A_684 = arith.constant 0 : i32
        %dma_start3A_685 = arith.constant 0 : i32
        %dma_start3A_686 = arith.constant 0 : i32
        %dma_start3A_687 = tpu.memref_slice %arg6[%dma_start3A_684, %dma_start3A_685, %dma_start3A_686] : memref<2x50x64xf32, #tpu.memory_space<vmem>> -> memref<1x50x64xf32, #tpu.memory_space<vmem>>
        %dma_start3A_688 = tpu.memref_squeeze %dma_start3A_687 : memref<1x50x64xf32, #tpu.memory_space<vmem>> -> memref<50x64xf32, #tpu.memory_space<vmem>>
        %dma_start3A_689 = arith.constant 0 : i32
        %dma_start3A_690 = tpu.memref_slice %arg5[%add3A_683, %dma_start3A_689] : memref<512x50xi32, #tpu.memory_space<vmem>> -> memref<1x50xi32, #tpu.memory_space<vmem>>
        %dma_start3A_691 = tpu.memref_squeeze %dma_start3A_690 : memref<1x50xi32, #tpu.memory_space<vmem>> -> memref<50xi32, #tpu.memory_space<vmem>>
        %dma_start3A_692 = arith.constant 0 : i32
        %dma_start3A_693 = arith.constant 0 : i32
        %dma_start3A_694 = tpu.memref_slice %arg2[%dma_start3A_692, %dma_start3A_693] : memref<1000000x64xf32, #tpu.memory_space<hbm>> -> memref<1000000x64xf32, #tpu.memory_space<hbm>>
        tpu.enqueue_indirect_dma source(%dma_start3A_694 : memref<1000000x64xf32, #tpu.memory_space<hbm>>) target(%dma_start3A_688 : memref<50x64xf32, #tpu.memory_space<vmem>>) offsets(%dma_start3A_691 : memref<50xi32, #tpu.memory_space<vmem>>) semaphore(%arg14 : memref<!tpu.dma_semaphore, #tpu.memory_space<semaphore_mem>>)
        %mul3A_695 = arith.constant 2 : i32
        %mul3A_696 = arith.muli %add3A_679, %mul3A_695 : i32
        %add3A_697 = arith.constant 1 : i32
        %add3A_698 = arith.addi %mul3A_696, %add3A_697 : i32
        %dma_start3A_699 = arith.constant 1 : i32
        %dma_start3A_700 = arith.constant 0 : i32
        %dma_start3A_701 = arith.constant 0 : i32
        %dma_start3A_702 = tpu.memref_slice %arg6[%dma_start3A_699, %dma_start3A_700, %dma_start3A_701] : memref<2x50x64xf32, #tpu.memory_space<vmem>> -> memref<1x50x64xf32, #tpu.memory_space<vmem>>
        %dma_start3A_703 = tpu.memref_squeeze %dma_start3A_702 : memref<1x50x64xf32, #tpu.memory_space<vmem>> -> memref<50x64xf32, #tpu.memory_space<vmem>>
        %dma_start3A_704 = arith.constant 0 : i32
        %dma_start3A_705 = tpu.memref_slice %arg5[%add3A_698, %dma_start3A_704] : memref<512x50xi32, #tpu.memory_space<vmem>> -> memref<1x50xi32, #tpu.memory_space<vmem>>
        %dma_start3A_706 = tpu.memref_squeeze %dma_start3A_705 : memref<1x50xi32, #tpu.memory_space<vmem>> -> memref<50xi32, #tpu.memory_space<vmem>>
        %dma_start3A_707 = arith.constant 0 : i32
        %dma_start3A_708 = arith.constant 0 : i32
        %dma_start3A_709 = tpu.memref_slice %arg2[%dma_start3A_707, %dma_start3A_708] : memref<1000000x64xf32, #tpu.memory_space<hbm>> -> memref<1000000x64xf32, #tpu.memory_space<hbm>>
        tpu.enqueue_indirect_dma source(%dma_start3A_709 : memref<1000000x64xf32, #tpu.memory_space<hbm>>) target(%dma_start3A_703 : memref<50x64xf32, #tpu.memory_space<vmem>>) offsets(%dma_start3A_706 : memref<50xi32, #tpu.memory_space<vmem>>) semaphore(%arg14 : memref<!tpu.dma_semaphore, #tpu.memory_space<semaphore_mem>>)
      } else {
      }
      %add3A_314 = arith.constant 1 : i32
      %add3A_315 = arith.addi %mul3A_265, %add3A_314 : i32
      %mul3A_316 = arith.constant 2 : i32
      %mul3A_317 = arith.muli %add3A_315, %mul3A_316 : i32
      %add3A_318 = arith.constant 0 : i32
      %add3A_319 = arith.addi %mul3A_317, %add3A_318 : i32
      %dma_wait3A_320 = arith.constant 0 : i32
      %dma_wait3A_321 = arith.constant 0 : i32
      %dma_wait3A_322 = arith.constant 0 : i32
      %dma_wait3A_323 = tpu.memref_slice %arg7[%dma_wait3A_320, %dma_wait3A_321, %dma_wait3A_322] : memref<2x50x64xf32, #tpu.memory_space<vmem>> -> memref<1x50x64xf32, #tpu.memory_space<vmem>>
      %dma_wait3A_324 = tpu.memref_squeeze %dma_wait3A_323 : memref<1x50x64xf32, #tpu.memory_space<vmem>> -> memref<50x64xf32, #tpu.memory_space<vmem>>
      %dma_wait3A_325 = arith.constant 0 : i32
      %dma_wait3A_326 = tpu.memref_slice %arg5[%add3A_319, %dma_wait3A_325] : memref<512x50xi32, #tpu.memory_space<vmem>> -> memref<1x50xi32, #tpu.memory_space<vmem>>
      %dma_wait3A_327 = tpu.memref_squeeze %dma_wait3A_326 : memref<1x50xi32, #tpu.memory_space<vmem>> -> memref<50xi32, #tpu.memory_space<vmem>>
      %dma_wait3A_328 = arith.constant 0 : i32
      %dma_wait3A_329 = arith.constant 0 : i32
      %dma_wait3A_330 = tpu.memref_slice %arg2[%dma_wait3A_328, %dma_wait3A_329] : memref<1000000x64xf32, #tpu.memory_space<hbm>> -> memref<1000000x64xf32, #tpu.memory_space<hbm>>
      tpu.wait_indirect_dma semaphore(%arg15 : memref<!tpu.dma_semaphore, #tpu.memory_space<semaphore_mem>>) src(%dma_wait3A_330 : memref<1000000x64xf32, #tpu.memory_space<hbm>>) dst(%dma_wait3A_324 : memref<50x64xf32, #tpu.memory_space<vmem>>)
      %mul3A_331 = arith.constant 2 : i32
      %mul3A_332 = arith.muli %add3A_315, %mul3A_331 : i32
      %add3A_333 = arith.constant 1 : i32
      %add3A_334 = arith.addi %mul3A_332, %add3A_333 : i32
      %dma_wait3A_335 = arith.constant 1 : i32
      %dma_wait3A_336 = arith.constant 0 : i32
      %dma_wait3A_337 = arith.constant 0 : i32
      %dma_wait3A_338 = tpu.memref_slice %arg7[%dma_wait3A_335, %dma_wait3A_336, %dma_wait3A_337] : memref<2x50x64xf32, #tpu.memory_space<vmem>> -> memref<1x50x64xf32, #tpu.memory_space<vmem>>
      %dma_wait3A_339 = tpu.memref_squeeze %dma_wait3A_338 : memref<1x50x64xf32, #tpu.memory_space<vmem>> -> memref<50x64xf32, #tpu.memory_space<vmem>>
      %dma_wait3A_340 = arith.constant 0 : i32
      %dma_wait3A_341 = tpu.memref_slice %arg5[%add3A_334, %dma_wait3A_340] : memref<512x50xi32, #tpu.memory_space<vmem>> -> memref<1x50xi32, #tpu.memory_space<vmem>>
      %dma_wait3A_342 = tpu.memref_squeeze %dma_wait3A_341 : memref<1x50xi32, #tpu.memory_space<vmem>> -> memref<50xi32, #tpu.memory_space<vmem>>
      %dma_wait3A_343 = arith.constant 0 : i32
      %dma_wait3A_344 = arith.constant 0 : i32
      %dma_wait3A_345 = tpu.memref_slice %arg2[%dma_wait3A_343, %dma_wait3A_344] : memref<1000000x64xf32, #tpu.memory_space<hbm>> -> memref<1000000x64xf32, #tpu.memory_space<hbm>>
      tpu.wait_indirect_dma semaphore(%arg15 : memref<!tpu.dma_semaphore, #tpu.memory_space<semaphore_mem>>) src(%dma_wait3A_345 : memref<1000000x64xf32, #tpu.memory_space<hbm>>) dst(%dma_wait3A_339 : memref<50x64xf32, #tpu.memory_space<vmem>>)
      %mul3A_346 = arith.constant 2 : i32
      %mul3A_347 = arith.muli %add3A_315, %mul3A_346 : i32
      %add3A_348 = arith.addi %mul3A_2, %mul3A_347 : i32
      %dma_start3A_349 = arith.constant 0 : i32
      %dma_start3A_350 = arith.constant 0 : i32
      %dma_start3A_351 = tpu.memref_slice %arg4[%add3A_348, %dma_start3A_349, %dma_start3A_350] : memref<16384x50x64xf32, #tpu.memory_space<hbm>> -> memref<2x50x64xf32, #tpu.memory_space<hbm>>
      %dma_start3A_352 = arith.constant 0 : i32
      %dma_start3A_353 = arith.constant 0 : i32
      %dma_start3A_354 = tpu.memref_slice %arg4[%add3A_348, %dma_start3A_352, %dma_start3A_353] : memref<16384x50x64xf32, #tpu.memory_space<hbm>> -> memref<2x50x64xf32, #tpu.memory_space<hbm>>
      tpu.enqueue_dma source(%arg7 : memref<2x50x64xf32, #tpu.memory_space<vmem>>) target(%dma_start3A_354 : memref<2x50x64xf32, #tpu.memory_space<hbm>>) target_semaphore(%arg23 : memref<!tpu.dma_semaphore, #tpu.memory_space<semaphore_mem>>)
      %dma_wait3A_355 = arith.constant 0 : i32
      %dma_wait3A_356 = arith.constant 0 : i32
      %dma_wait3A_357 = tpu.memref_slice %arg4[%add3A_348, %dma_wait3A_355, %dma_wait3A_356] : memref<16384x50x64xf32, #tpu.memory_space<hbm>> -> memref<2x50x64xf32, #tpu.memory_space<hbm>>
      %dma_wait3A_358 = arith.constant 0 : i32
      %dma_wait3A_359 = arith.constant 0 : i32
      %dma_wait3A_360 = tpu.memref_slice %arg4[%add3A_348, %dma_wait3A_358, %dma_wait3A_359] : memref<16384x50x64xf32, #tpu.memory_space<hbm>> -> memref<2x50x64xf32, #tpu.memory_space<hbm>>
      tpu.wait_dma2 semaphore(%arg23 : memref<!tpu.dma_semaphore, #tpu.memory_space<semaphore_mem>>) src(%arg7 : memref<2x50x64xf32, #tpu.memory_space<vmem>>) dst(%dma_wait3A_360 : memref<2x50x64xf32, #tpu.memory_space<hbm>>)
      %lt3A_361 = arith.constant 31 : i32
      %lt3A_362 = arith.cmpi slt, %scan3A_263, %lt3A_361 : i32
      %convert_element_type3A_363 = arith.extui %lt3A_362 : i1 to i32
      %cond3A_364 = arith.constant 0 : i32
      %cond3A_365 = arith.cmpi ne, %convert_element_type3A_363, %cond3A_364 : i32
      scf.if %cond3A_365 {
        %add3A_678 = arith.constant 8 : i32
        %add3A_679 = arith.addi %add3A_315, %add3A_678 : i32
        %mul3A_680 = arith.constant 2 : i32
        %mul3A_681 = arith.muli %add3A_679, %mul3A_680 : i32
        %add3A_682 = arith.constant 0 : i32
        %add3A_683 = arith.addi %mul3A_681, %add3A_682 : i32
        %dma_start3A_684 = arith.constant 0 : i32
        %dma_start3A_685 = arith.constant 0 : i32
        %dma_start3A_686 = arith.constant 0 : i32
        %dma_start3A_687 = tpu.memref_slice %arg7[%dma_start3A_684, %dma_start3A_685, %dma_start3A_686] : memref<2x50x64xf32, #tpu.memory_space<vmem>> -> memref<1x50x64xf32, #tpu.memory_space<vmem>>
        %dma_start3A_688 = tpu.memref_squeeze %dma_start3A_687 : memref<1x50x64xf32, #tpu.memory_space<vmem>> -> memref<50x64xf32, #tpu.memory_space<vmem>>
        %dma_start3A_689 = arith.constant 0 : i32
        %dma_start3A_690 = tpu.memref_slice %arg5[%add3A_683, %dma_start3A_689] : memref<512x50xi32, #tpu.memory_space<vmem>> -> memref<1x50xi32, #tpu.memory_space<vmem>>
        %dma_start3A_691 = tpu.memref_squeeze %dma_start3A_690 : memref<1x50xi32, #tpu.memory_space<vmem>> -> memref<50xi32, #tpu.memory_space<vmem>>
        %dma_start3A_692 = arith.constant 0 : i32
        %dma_start3A_693 = arith.constant 0 : i32
        %dma_start3A_694 = tpu.memref_slice %arg2[%dma_start3A_692, %dma_start3A_693] : memref<1000000x64xf32, #tpu.memory_space<hbm>> -> memref<1000000x64xf32, #tpu.memory_space<hbm>>
        tpu.enqueue_indirect_dma source(%dma_start3A_694 : memref<1000000x64xf32, #tpu.memory_space<hbm>>) target(%dma_start3A_688 : memref<50x64xf32, #tpu.memory_space<vmem>>) offsets(%dma_start3A_691 : memref<50xi32, #tpu.memory_space<vmem>>) semaphore(%arg15 : memref<!tpu.dma_semaphore, #tpu.memory_space<semaphore_mem>>)
        %mul3A_695 = arith.constant 2 : i32
        %mul3A_696 = arith.muli %add3A_679, %mul3A_695 : i32
        %add3A_697 = arith.constant 1 : i32
        %add3A_698 = arith.addi %mul3A_696, %add3A_697 : i32
        %dma_start3A_699 = arith.constant 1 : i32
        %dma_start3A_700 = arith.constant 0 : i32
        %dma_start3A_701 = arith.constant 0 : i32
        %dma_start3A_702 = tpu.memref_slice %arg7[%dma_start3A_699, %dma_start3A_700, %dma_start3A_701] : memref<2x50x64xf32, #tpu.memory_space<vmem>> -> memref<1x50x64xf32, #tpu.memory_space<vmem>>
        %dma_start3A_703 = tpu.memref_squeeze %dma_start3A_702 : memref<1x50x64xf32, #tpu.memory_space<vmem>> -> memref<50x64xf32, #tpu.memory_space<vmem>>
        %dma_start3A_704 = arith.constant 0 : i32
        %dma_start3A_705 = tpu.memref_slice %arg5[%add3A_698, %dma_start3A_704] : memref<512x50xi32, #tpu.memory_space<vmem>> -> memref<1x50xi32, #tpu.memory_space<vmem>>
        %dma_start3A_706 = tpu.memref_squeeze %dma_start3A_705 : memref<1x50xi32, #tpu.memory_space<vmem>> -> memref<50xi32, #tpu.memory_space<vmem>>
        %dma_start3A_707 = arith.constant 0 : i32
        %dma_start3A_708 = arith.constant 0 : i32
        %dma_start3A_709 = tpu.memref_slice %arg2[%dma_start3A_707, %dma_start3A_708] : memref<1000000x64xf32, #tpu.memory_space<hbm>> -> memref<1000000x64xf32, #tpu.memory_space<hbm>>
        tpu.enqueue_indirect_dma source(%dma_start3A_709 : memref<1000000x64xf32, #tpu.memory_space<hbm>>) target(%dma_start3A_703 : memref<50x64xf32, #tpu.memory_space<vmem>>) offsets(%dma_start3A_706 : memref<50xi32, #tpu.memory_space<vmem>>) semaphore(%arg15 : memref<!tpu.dma_semaphore, #tpu.memory_space<semaphore_mem>>)
      } else {
      }
      %add3A_366 = arith.constant 2 : i32
      %add3A_367 = arith.addi %mul3A_265, %add3A_366 : i32
      %mul3A_368 = arith.constant 2 : i32
      %mul3A_369 = arith.muli %add3A_367, %mul3A_368 : i32
      %add3A_370 = arith.constant 0 : i32
      %add3A_371 = arith.addi %mul3A_369, %add3A_370 : i32
      %dma_wait3A_372 = arith.constant 0 : i32
      %dma_wait3A_373 = arith.constant 0 : i32
      %dma_wait3A_374 = arith.constant 0 : i32
      %dma_wait3A_375 = tpu.memref_slice %arg8[%dma_wait3A_372, %dma_wait3A_373, %dma_wait3A_374] : memref<2x50x64xf32, #tpu.memory_space<vmem>> -> memref<1x50x64xf32, #tpu.memory_space<vmem>>
      %dma_wait3A_376 = tpu.memref_squeeze %dma_wait3A_375 : memref<1x50x64xf32, #tpu.memory_space<vmem>> -> memref<50x64xf32, #tpu.memory_space<vmem>>
      %dma_wait3A_377 = arith.constant 0 : i32
      %dma_wait3A_378 = tpu.memref_slice %arg5[%add3A_371, %dma_wait3A_377] : memref<512x50xi32, #tpu.memory_space<vmem>> -> memref<1x50xi32, #tpu.memory_space<vmem>>
      %dma_wait3A_379 = tpu.memref_squeeze %dma_wait3A_378 : memref<1x50xi32, #tpu.memory_space<vmem>> -> memref<50xi32, #tpu.memory_space<vmem>>
      %dma_wait3A_380 = arith.constant 0 : i32
      %dma_wait3A_381 = arith.constant 0 : i32
      %dma_wait3A_382 = tpu.memref_slice %arg2[%dma_wait3A_380, %dma_wait3A_381] : memref<1000000x64xf32, #tpu.memory_space<hbm>> -> memref<1000000x64xf32, #tpu.memory_space<hbm>>
      tpu.wait_indirect_dma semaphore(%arg16 : memref<!tpu.dma_semaphore, #tpu.memory_space<semaphore_mem>>) src(%dma_wait3A_382 : memref<1000000x64xf32, #tpu.memory_space<hbm>>) dst(%dma_wait3A_376 : memref<50x64xf32, #tpu.memory_space<vmem>>)
      %mul3A_383 = arith.constant 2 : i32
      %mul3A_384 = arith.muli %add3A_367, %mul3A_383 : i32
      %add3A_385 = arith.constant 1 : i32
      %add3A_386 = arith.addi %mul3A_384, %add3A_385 : i32
      %dma_wait3A_387 = arith.constant 1 : i32
      %dma_wait3A_388 = arith.constant 0 : i32
      %dma_wait3A_389 = arith.constant 0 : i32
      %dma_wait3A_390 = tpu.memref_slice %arg8[%dma_wait3A_387, %dma_wait3A_388, %dma_wait3A_389] : memref<2x50x64xf32, #tpu.memory_space<vmem>> -> memref<1x50x64xf32, #tpu.memory_space<vmem>>
      %dma_wait3A_391 = tpu.memref_squeeze %dma_wait3A_390 : memref<1x50x64xf32, #tpu.memory_space<vmem>> -> memref<50x64xf32, #tpu.memory_space<vmem>>
      %dma_wait3A_392 = arith.constant 0 : i32
      %dma_wait3A_393 = tpu.memref_slice %arg5[%add3A_386, %dma_wait3A_392] : memref<512x50xi32, #tpu.memory_space<vmem>> -> memref<1x50xi32, #tpu.memory_space<vmem>>
      %dma_wait3A_394 = tpu.memref_squeeze %dma_wait3A_393 : memref<1x50xi32, #tpu.memory_space<vmem>> -> memref<50xi32, #tpu.memory_space<vmem>>
      %dma_wait3A_395 = arith.constant 0 : i32
      %dma_wait3A_396 = arith.constant 0 : i32
      %dma_wait3A_397 = tpu.memref_slice %arg2[%dma_wait3A_395, %dma_wait3A_396] : memref<1000000x64xf32, #tpu.memory_space<hbm>> -> memref<1000000x64xf32, #tpu.memory_space<hbm>>
      tpu.wait_indirect_dma semaphore(%arg16 : memref<!tpu.dma_semaphore, #tpu.memory_space<semaphore_mem>>) src(%dma_wait3A_397 : memref<1000000x64xf32, #tpu.memory_space<hbm>>) dst(%dma_wait3A_391 : memref<50x64xf32, #tpu.memory_space<vmem>>)
      %mul3A_398 = arith.constant 2 : i32
      %mul3A_399 = arith.muli %add3A_367, %mul3A_398 : i32
      %add3A_400 = arith.addi %mul3A_2, %mul3A_399 : i32
      %dma_start3A_401 = arith.constant 0 : i32
      %dma_start3A_402 = arith.constant 0 : i32
      %dma_start3A_403 = tpu.memref_slice %arg4[%add3A_400, %dma_start3A_401, %dma_start3A_402] : memref<16384x50x64xf32, #tpu.memory_space<hbm>> -> memref<2x50x64xf32, #tpu.memory_space<hbm>>
      %dma_start3A_404 = arith.constant 0 : i32
      %dma_start3A_405 = arith.constant 0 : i32
      %dma_start3A_406 = tpu.memref_slice %arg4[%add3A_400, %dma_start3A_404, %dma_start3A_405] : memref<16384x50x64xf32, #tpu.memory_space<hbm>> -> memref<2x50x64xf32, #tpu.memory_space<hbm>>
      tpu.enqueue_dma source(%arg8 : memref<2x50x64xf32, #tpu.memory_space<vmem>>) target(%dma_start3A_406 : memref<2x50x64xf32, #tpu.memory_space<hbm>>) target_semaphore(%arg24 : memref<!tpu.dma_semaphore, #tpu.memory_space<semaphore_mem>>)
      %dma_wait3A_407 = arith.constant 0 : i32
      %dma_wait3A_408 = arith.constant 0 : i32
      %dma_wait3A_409 = tpu.memref_slice %arg4[%add3A_400, %dma_wait3A_407, %dma_wait3A_408] : memref<16384x50x64xf32, #tpu.memory_space<hbm>> -> memref<2x50x64xf32, #tpu.memory_space<hbm>>
      %dma_wait3A_410 = arith.constant 0 : i32
      %dma_wait3A_411 = arith.constant 0 : i32
      %dma_wait3A_412 = tpu.memref_slice %arg4[%add3A_400, %dma_wait3A_410, %dma_wait3A_411] : memref<16384x50x64xf32, #tpu.memory_space<hbm>> -> memref<2x50x64xf32, #tpu.memory_space<hbm>>
      tpu.wait_dma2 semaphore(%arg24 : memref<!tpu.dma_semaphore, #tpu.memory_space<semaphore_mem>>) src(%arg8 : memref<2x50x64xf32, #tpu.memory_space<vmem>>) dst(%dma_wait3A_412 : memref<2x50x64xf32, #tpu.memory_space<hbm>>)
      %lt3A_413 = arith.constant 31 : i32
      %lt3A_414 = arith.cmpi slt, %scan3A_263, %lt3A_413 : i32
      %convert_element_type3A_415 = arith.extui %lt3A_414 : i1 to i32
      %cond3A_416 = arith.constant 0 : i32
      %cond3A_417 = arith.cmpi ne, %convert_element_type3A_415, %cond3A_416 : i32
      scf.if %cond3A_417 {
        %add3A_678 = arith.constant 8 : i32
        %add3A_679 = arith.addi %add3A_367, %add3A_678 : i32
        %mul3A_680 = arith.constant 2 : i32
        %mul3A_681 = arith.muli %add3A_679, %mul3A_680 : i32
        %add3A_682 = arith.constant 0 : i32
        %add3A_683 = arith.addi %mul3A_681, %add3A_682 : i32
        %dma_start3A_684 = arith.constant 0 : i32
        %dma_start3A_685 = arith.constant 0 : i32
        %dma_start3A_686 = arith.constant 0 : i32
        %dma_start3A_687 = tpu.memref_slice %arg8[%dma_start3A_684, %dma_start3A_685, %dma_start3A_686] : memref<2x50x64xf32, #tpu.memory_space<vmem>> -> memref<1x50x64xf32, #tpu.memory_space<vmem>>
        %dma_start3A_688 = tpu.memref_squeeze %dma_start3A_687 : memref<1x50x64xf32, #tpu.memory_space<vmem>> -> memref<50x64xf32, #tpu.memory_space<vmem>>
        %dma_start3A_689 = arith.constant 0 : i32
        %dma_start3A_690 = tpu.memref_slice %arg5[%add3A_683, %dma_start3A_689] : memref<512x50xi32, #tpu.memory_space<vmem>> -> memref<1x50xi32, #tpu.memory_space<vmem>>
        %dma_start3A_691 = tpu.memref_squeeze %dma_start3A_690 : memref<1x50xi32, #tpu.memory_space<vmem>> -> memref<50xi32, #tpu.memory_space<vmem>>
        %dma_start3A_692 = arith.constant 0 : i32
        %dma_start3A_693 = arith.constant 0 : i32
        %dma_start3A_694 = tpu.memref_slice %arg2[%dma_start3A_692, %dma_start3A_693] : memref<1000000x64xf32, #tpu.memory_space<hbm>> -> memref<1000000x64xf32, #tpu.memory_space<hbm>>
        tpu.enqueue_indirect_dma source(%dma_start3A_694 : memref<1000000x64xf32, #tpu.memory_space<hbm>>) target(%dma_start3A_688 : memref<50x64xf32, #tpu.memory_space<vmem>>) offsets(%dma_start3A_691 : memref<50xi32, #tpu.memory_space<vmem>>) semaphore(%arg16 : memref<!tpu.dma_semaphore, #tpu.memory_space<semaphore_mem>>)
        %mul3A_695 = arith.constant 2 : i32
        %mul3A_696 = arith.muli %add3A_679, %mul3A_695 : i32
        %add3A_697 = arith.constant 1 : i32
        %add3A_698 = arith.addi %mul3A_696, %add3A_697 : i32
        %dma_start3A_699 = arith.constant 1 : i32
        %dma_start3A_700 = arith.constant 0 : i32
        %dma_start3A_701 = arith.constant 0 : i32
        %dma_start3A_702 = tpu.memref_slice %arg8[%dma_start3A_699, %dma_start3A_700, %dma_start3A_701] : memref<2x50x64xf32, #tpu.memory_space<vmem>> -> memref<1x50x64xf32, #tpu.memory_space<vmem>>
        %dma_start3A_703 = tpu.memref_squeeze %dma_start3A_702 : memref<1x50x64xf32, #tpu.memory_space<vmem>> -> memref<50x64xf32, #tpu.memory_space<vmem>>
        %dma_start3A_704 = arith.constant 0 : i32
        %dma_start3A_705 = tpu.memref_slice %arg5[%add3A_698, %dma_start3A_704] : memref<512x50xi32, #tpu.memory_space<vmem>> -> memref<1x50xi32, #tpu.memory_space<vmem>>
        %dma_start3A_706 = tpu.memref_squeeze %dma_start3A_705 : memref<1x50xi32, #tpu.memory_space<vmem>> -> memref<50xi32, #tpu.memory_space<vmem>>
        %dma_start3A_707 = arith.constant 0 : i32
        %dma_start3A_708 = arith.constant 0 : i32
        %dma_start3A_709 = tpu.memref_slice %arg2[%dma_start3A_707, %dma_start3A_708] : memref<1000000x64xf32, #tpu.memory_space<hbm>> -> memref<1000000x64xf32, #tpu.memory_space<hbm>>
        tpu.enqueue_indirect_dma source(%dma_start3A_709 : memref<1000000x64xf32, #tpu.memory_space<hbm>>) target(%dma_start3A_703 : memref<50x64xf32, #tpu.memory_space<vmem>>) offsets(%dma_start3A_706 : memref<50xi32, #tpu.memory_space<vmem>>) semaphore(%arg16 : memref<!tpu.dma_semaphore, #tpu.memory_space<semaphore_mem>>)
      } else {
      }
      %add3A_418 = arith.constant 3 : i32
      %add3A_419 = arith.addi %mul3A_265, %add3A_418 : i32
      %mul3A_420 = arith.constant 2 : i32
      %mul3A_421 = arith.muli %add3A_419, %mul3A_420 : i32
      %add3A_422 = arith.constant 0 : i32
      %add3A_423 = arith.addi %mul3A_421, %add3A_422 : i32
      %dma_wait3A_424 = arith.constant 0 : i32
      %dma_wait3A_425 = arith.constant 0 : i32
      %dma_wait3A_426 = arith.constant 0 : i32
      %dma_wait3A_427 = tpu.memref_slice %arg9[%dma_wait3A_424, %dma_wait3A_425, %dma_wait3A_426] : memref<2x50x64xf32, #tpu.memory_space<vmem>> -> memref<1x50x64xf32, #tpu.memory_space<vmem>>
      %dma_wait3A_428 = tpu.memref_squeeze %dma_wait3A_427 : memref<1x50x64xf32, #tpu.memory_space<vmem>> -> memref<50x64xf32, #tpu.memory_space<vmem>>
      %dma_wait3A_429 = arith.constant 0 : i32
      %dma_wait3A_430 = tpu.memref_slice %arg5[%add3A_423, %dma_wait3A_429] : memref<512x50xi32, #tpu.memory_space<vmem>> -> memref<1x50xi32, #tpu.memory_space<vmem>>
      %dma_wait3A_431 = tpu.memref_squeeze %dma_wait3A_430 : memref<1x50xi32, #tpu.memory_space<vmem>> -> memref<50xi32, #tpu.memory_space<vmem>>
      %dma_wait3A_432 = arith.constant 0 : i32
      %dma_wait3A_433 = arith.constant 0 : i32
      %dma_wait3A_434 = tpu.memref_slice %arg2[%dma_wait3A_432, %dma_wait3A_433] : memref<1000000x64xf32, #tpu.memory_space<hbm>> -> memref<1000000x64xf32, #tpu.memory_space<hbm>>
      tpu.wait_indirect_dma semaphore(%arg17 : memref<!tpu.dma_semaphore, #tpu.memory_space<semaphore_mem>>) src(%dma_wait3A_434 : memref<1000000x64xf32, #tpu.memory_space<hbm>>) dst(%dma_wait3A_428 : memref<50x64xf32, #tpu.memory_space<vmem>>)
      %mul3A_435 = arith.constant 2 : i32
      %mul3A_436 = arith.muli %add3A_419, %mul3A_435 : i32
      %add3A_437 = arith.constant 1 : i32
      %add3A_438 = arith.addi %mul3A_436, %add3A_437 : i32
      %dma_wait3A_439 = arith.constant 1 : i32
      %dma_wait3A_440 = arith.constant 0 : i32
      %dma_wait3A_441 = arith.constant 0 : i32
      %dma_wait3A_442 = tpu.memref_slice %arg9[%dma_wait3A_439, %dma_wait3A_440, %dma_wait3A_441] : memref<2x50x64xf32, #tpu.memory_space<vmem>> -> memref<1x50x64xf32, #tpu.memory_space<vmem>>
      %dma_wait3A_443 = tpu.memref_squeeze %dma_wait3A_442 : memref<1x50x64xf32, #tpu.memory_space<vmem>> -> memref<50x64xf32, #tpu.memory_space<vmem>>
      %dma_wait3A_444 = arith.constant 0 : i32
      %dma_wait3A_445 = tpu.memref_slice %arg5[%add3A_438, %dma_wait3A_444] : memref<512x50xi32, #tpu.memory_space<vmem>> -> memref<1x50xi32, #tpu.memory_space<vmem>>
      %dma_wait3A_446 = tpu.memref_squeeze %dma_wait3A_445 : memref<1x50xi32, #tpu.memory_space<vmem>> -> memref<50xi32, #tpu.memory_space<vmem>>
      %dma_wait3A_447 = arith.constant 0 : i32
      %dma_wait3A_448 = arith.constant 0 : i32
      %dma_wait3A_449 = tpu.memref_slice %arg2[%dma_wait3A_447, %dma_wait3A_448] : memref<1000000x64xf32, #tpu.memory_space<hbm>> -> memref<1000000x64xf32, #tpu.memory_space<hbm>>
      tpu.wait_indirect_dma semaphore(%arg17 : memref<!tpu.dma_semaphore, #tpu.memory_space<semaphore_mem>>) src(%dma_wait3A_449 : memref<1000000x64xf32, #tpu.memory_space<hbm>>) dst(%dma_wait3A_443 : memref<50x64xf32, #tpu.memory_space<vmem>>)
      %mul3A_450 = arith.constant 2 : i32
      %mul3A_451 = arith.muli %add3A_419, %mul3A_450 : i32
      %add3A_452 = arith.addi %mul3A_2, %mul3A_451 : i32
      %dma_start3A_453 = arith.constant 0 : i32
      %dma_start3A_454 = arith.constant 0 : i32
      %dma_start3A_455 = tpu.memref_slice %arg4[%add3A_452, %dma_start3A_453, %dma_start3A_454] : memref<16384x50x64xf32, #tpu.memory_space<hbm>> -> memref<2x50x64xf32, #tpu.memory_space<hbm>>
      %dma_start3A_456 = arith.constant 0 : i32
      %dma_start3A_457 = arith.constant 0 : i32
      %dma_start3A_458 = tpu.memref_slice %arg4[%add3A_452, %dma_start3A_456, %dma_start3A_457] : memref<16384x50x64xf32, #tpu.memory_space<hbm>> -> memref<2x50x64xf32, #tpu.memory_space<hbm>>
      tpu.enqueue_dma source(%arg9 : memref<2x50x64xf32, #tpu.memory_space<vmem>>) target(%dma_start3A_458 : memref<2x50x64xf32, #tpu.memory_space<hbm>>) target_semaphore(%arg25 : memref<!tpu.dma_semaphore, #tpu.memory_space<semaphore_mem>>)
      %dma_wait3A_459 = arith.constant 0 : i32
      %dma_wait3A_460 = arith.constant 0 : i32
      %dma_wait3A_461 = tpu.memref_slice %arg4[%add3A_452, %dma_wait3A_459, %dma_wait3A_460] : memref<16384x50x64xf32, #tpu.memory_space<hbm>> -> memref<2x50x64xf32, #tpu.memory_space<hbm>>
      %dma_wait3A_462 = arith.constant 0 : i32
      %dma_wait3A_463 = arith.constant 0 : i32
      %dma_wait3A_464 = tpu.memref_slice %arg4[%add3A_452, %dma_wait3A_462, %dma_wait3A_463] : memref<16384x50x64xf32, #tpu.memory_space<hbm>> -> memref<2x50x64xf32, #tpu.memory_space<hbm>>
      tpu.wait_dma2 semaphore(%arg25 : memref<!tpu.dma_semaphore, #tpu.memory_space<semaphore_mem>>) src(%arg9 : memref<2x50x64xf32, #tpu.memory_space<vmem>>) dst(%dma_wait3A_464 : memref<2x50x64xf32, #tpu.memory_space<hbm>>)
      %lt3A_465 = arith.constant 31 : i32
      %lt3A_466 = arith.cmpi slt, %scan3A_263, %lt3A_465 : i32
      %convert_element_type3A_467 = arith.extui %lt3A_466 : i1 to i32
      %cond3A_468 = arith.constant 0 : i32
      %cond3A_469 = arith.cmpi ne, %convert_element_type3A_467, %cond3A_468 : i32
      scf.if %cond3A_469 {
        %add3A_678 = arith.constant 8 : i32
        %add3A_679 = arith.addi %add3A_419, %add3A_678 : i32
        %mul3A_680 = arith.constant 2 : i32
        %mul3A_681 = arith.muli %add3A_679, %mul3A_680 : i32
        %add3A_682 = arith.constant 0 : i32
        %add3A_683 = arith.addi %mul3A_681, %add3A_682 : i32
        %dma_start3A_684 = arith.constant 0 : i32
        %dma_start3A_685 = arith.constant 0 : i32
        %dma_start3A_686 = arith.constant 0 : i32
        %dma_start3A_687 = tpu.memref_slice %arg9[%dma_start3A_684, %dma_start3A_685, %dma_start3A_686] : memref<2x50x64xf32, #tpu.memory_space<vmem>> -> memref<1x50x64xf32, #tpu.memory_space<vmem>>
        %dma_start3A_688 = tpu.memref_squeeze %dma_start3A_687 : memref<1x50x64xf32, #tpu.memory_space<vmem>> -> memref<50x64xf32, #tpu.memory_space<vmem>>
        %dma_start3A_689 = arith.constant 0 : i32
        %dma_start3A_690 = tpu.memref_slice %arg5[%add3A_683, %dma_start3A_689] : memref<512x50xi32, #tpu.memory_space<vmem>> -> memref<1x50xi32, #tpu.memory_space<vmem>>
        %dma_start3A_691 = tpu.memref_squeeze %dma_start3A_690 : memref<1x50xi32, #tpu.memory_space<vmem>> -> memref<50xi32, #tpu.memory_space<vmem>>
        %dma_start3A_692 = arith.constant 0 : i32
        %dma_start3A_693 = arith.constant 0 : i32
        %dma_start3A_694 = tpu.memref_slice %arg2[%dma_start3A_692, %dma_start3A_693] : memref<1000000x64xf32, #tpu.memory_space<hbm>> -> memref<1000000x64xf32, #tpu.memory_space<hbm>>
        tpu.enqueue_indirect_dma source(%dma_start3A_694 : memref<1000000x64xf32, #tpu.memory_space<hbm>>) target(%dma_start3A_688 : memref<50x64xf32, #tpu.memory_space<vmem>>) offsets(%dma_start3A_691 : memref<50xi32, #tpu.memory_space<vmem>>) semaphore(%arg17 : memref<!tpu.dma_semaphore, #tpu.memory_space<semaphore_mem>>)
        %mul3A_695 = arith.constant 2 : i32
        %mul3A_696 = arith.muli %add3A_679, %mul3A_695 : i32
        %add3A_697 = arith.constant 1 : i32
        %add3A_698 = arith.addi %mul3A_696, %add3A_697 : i32
        %dma_start3A_699 = arith.constant 1 : i32
        %dma_start3A_700 = arith.constant 0 : i32
        %dma_start3A_701 = arith.constant 0 : i32
        %dma_start3A_702 = tpu.memref_slice %arg9[%dma_start3A_699, %dma_start3A_700, %dma_start3A_701] : memref<2x50x64xf32, #tpu.memory_space<vmem>> -> memref<1x50x64xf32, #tpu.memory_space<vmem>>
        %dma_start3A_703 = tpu.memref_squeeze %dma_start3A_702 : memref<1x50x64xf32, #tpu.memory_space<vmem>> -> memref<50x64xf32, #tpu.memory_space<vmem>>
        %dma_start3A_704 = arith.constant 0 : i32
        %dma_start3A_705 = tpu.memref_slice %arg5[%add3A_698, %dma_start3A_704] : memref<512x50xi32, #tpu.memory_space<vmem>> -> memref<1x50xi32, #tpu.memory_space<vmem>>
        %dma_start3A_706 = tpu.memref_squeeze %dma_start3A_705 : memref<1x50xi32, #tpu.memory_space<vmem>> -> memref<50xi32, #tpu.memory_space<vmem>>
        %dma_start3A_707 = arith.constant 0 : i32
        %dma_start3A_708 = arith.constant 0 : i32
        %dma_start3A_709 = tpu.memref_slice %arg2[%dma_start3A_707, %dma_start3A_708] : memref<1000000x64xf32, #tpu.memory_space<hbm>> -> memref<1000000x64xf32, #tpu.memory_space<hbm>>
        tpu.enqueue_indirect_dma source(%dma_start3A_709 : memref<1000000x64xf32, #tpu.memory_space<hbm>>) target(%dma_start3A_703 : memref<50x64xf32, #tpu.memory_space<vmem>>) offsets(%dma_start3A_706 : memref<50xi32, #tpu.memory_space<vmem>>) semaphore(%arg17 : memref<!tpu.dma_semaphore, #tpu.memory_space<semaphore_mem>>)
      } else {
      }
      %add3A_470 = arith.constant 4 : i32
      %add3A_471 = arith.addi %mul3A_265, %add3A_470 : i32
      %mul3A_472 = arith.constant 2 : i32
      %mul3A_473 = arith.muli %add3A_471, %mul3A_472 : i32
      %add3A_474 = arith.constant 0 : i32
      %add3A_475 = arith.addi %mul3A_473, %add3A_474 : i32
      %dma_wait3A_476 = arith.constant 0 : i32
      %dma_wait3A_477 = arith.constant 0 : i32
      %dma_wait3A_478 = arith.constant 0 : i32
      %dma_wait3A_479 = tpu.memref_slice %arg10[%dma_wait3A_476, %dma_wait3A_477, %dma_wait3A_478] : memref<2x50x64xf32, #tpu.memory_space<vmem>> -> memref<1x50x64xf32, #tpu.memory_space<vmem>>
      %dma_wait3A_480 = tpu.memref_squeeze %dma_wait3A_479 : memref<1x50x64xf32, #tpu.memory_space<vmem>> -> memref<50x64xf32, #tpu.memory_space<vmem>>
      %dma_wait3A_481 = arith.constant 0 : i32
      %dma_wait3A_482 = tpu.memref_slice %arg5[%add3A_475, %dma_wait3A_481] : memref<512x50xi32, #tpu.memory_space<vmem>> -> memref<1x50xi32, #tpu.memory_space<vmem>>
      %dma_wait3A_483 = tpu.memref_squeeze %dma_wait3A_482 : memref<1x50xi32, #tpu.memory_space<vmem>> -> memref<50xi32, #tpu.memory_space<vmem>>
      %dma_wait3A_484 = arith.constant 0 : i32
      %dma_wait3A_485 = arith.constant 0 : i32
      %dma_wait3A_486 = tpu.memref_slice %arg2[%dma_wait3A_484, %dma_wait3A_485] : memref<1000000x64xf32, #tpu.memory_space<hbm>> -> memref<1000000x64xf32, #tpu.memory_space<hbm>>
      tpu.wait_indirect_dma semaphore(%arg18 : memref<!tpu.dma_semaphore, #tpu.memory_space<semaphore_mem>>) src(%dma_wait3A_486 : memref<1000000x64xf32, #tpu.memory_space<hbm>>) dst(%dma_wait3A_480 : memref<50x64xf32, #tpu.memory_space<vmem>>)
      %mul3A_487 = arith.constant 2 : i32
      %mul3A_488 = arith.muli %add3A_471, %mul3A_487 : i32
      %add3A_489 = arith.constant 1 : i32
      %add3A_490 = arith.addi %mul3A_488, %add3A_489 : i32
      %dma_wait3A_491 = arith.constant 1 : i32
      %dma_wait3A_492 = arith.constant 0 : i32
      %dma_wait3A_493 = arith.constant 0 : i32
      %dma_wait3A_494 = tpu.memref_slice %arg10[%dma_wait3A_491, %dma_wait3A_492, %dma_wait3A_493] : memref<2x50x64xf32, #tpu.memory_space<vmem>> -> memref<1x50x64xf32, #tpu.memory_space<vmem>>
      %dma_wait3A_495 = tpu.memref_squeeze %dma_wait3A_494 : memref<1x50x64xf32, #tpu.memory_space<vmem>> -> memref<50x64xf32, #tpu.memory_space<vmem>>
      %dma_wait3A_496 = arith.constant 0 : i32
      %dma_wait3A_497 = tpu.memref_slice %arg5[%add3A_490, %dma_wait3A_496] : memref<512x50xi32, #tpu.memory_space<vmem>> -> memref<1x50xi32, #tpu.memory_space<vmem>>
      %dma_wait3A_498 = tpu.memref_squeeze %dma_wait3A_497 : memref<1x50xi32, #tpu.memory_space<vmem>> -> memref<50xi32, #tpu.memory_space<vmem>>
      %dma_wait3A_499 = arith.constant 0 : i32
      %dma_wait3A_500 = arith.constant 0 : i32
      %dma_wait3A_501 = tpu.memref_slice %arg2[%dma_wait3A_499, %dma_wait3A_500] : memref<1000000x64xf32, #tpu.memory_space<hbm>> -> memref<1000000x64xf32, #tpu.memory_space<hbm>>
      tpu.wait_indirect_dma semaphore(%arg18 : memref<!tpu.dma_semaphore, #tpu.memory_space<semaphore_mem>>) src(%dma_wait3A_501 : memref<1000000x64xf32, #tpu.memory_space<hbm>>) dst(%dma_wait3A_495 : memref<50x64xf32, #tpu.memory_space<vmem>>)
      %mul3A_502 = arith.constant 2 : i32
      %mul3A_503 = arith.muli %add3A_471, %mul3A_502 : i32
      %add3A_504 = arith.addi %mul3A_2, %mul3A_503 : i32
      %dma_start3A_505 = arith.constant 0 : i32
      %dma_start3A_506 = arith.constant 0 : i32
      %dma_start3A_507 = tpu.memref_slice %arg4[%add3A_504, %dma_start3A_505, %dma_start3A_506] : memref<16384x50x64xf32, #tpu.memory_space<hbm>> -> memref<2x50x64xf32, #tpu.memory_space<hbm>>
      %dma_start3A_508 = arith.constant 0 : i32
      %dma_start3A_509 = arith.constant 0 : i32
      %dma_start3A_510 = tpu.memref_slice %arg4[%add3A_504, %dma_start3A_508, %dma_start3A_509] : memref<16384x50x64xf32, #tpu.memory_space<hbm>> -> memref<2x50x64xf32, #tpu.memory_space<hbm>>
      tpu.enqueue_dma source(%arg10 : memref<2x50x64xf32, #tpu.memory_space<vmem>>) target(%dma_start3A_510 : memref<2x50x64xf32, #tpu.memory_space<hbm>>) target_semaphore(%arg26 : memref<!tpu.dma_semaphore, #tpu.memory_space<semaphore_mem>>)
      %dma_wait3A_511 = arith.constant 0 : i32
      %dma_wait3A_512 = arith.constant 0 : i32
      %dma_wait3A_513 = tpu.memref_slice %arg4[%add3A_504, %dma_wait3A_511, %dma_wait3A_512] : memref<16384x50x64xf32, #tpu.memory_space<hbm>> -> memref<2x50x64xf32, #tpu.memory_space<hbm>>
      %dma_wait3A_514 = arith.constant 0 : i32
      %dma_wait3A_515 = arith.constant 0 : i32
      %dma_wait3A_516 = tpu.memref_slice %arg4[%add3A_504, %dma_wait3A_514, %dma_wait3A_515] : memref<16384x50x64xf32, #tpu.memory_space<hbm>> -> memref<2x50x64xf32, #tpu.memory_space<hbm>>
      tpu.wait_dma2 semaphore(%arg26 : memref<!tpu.dma_semaphore, #tpu.memory_space<semaphore_mem>>) src(%arg10 : memref<2x50x64xf32, #tpu.memory_space<vmem>>) dst(%dma_wait3A_516 : memref<2x50x64xf32, #tpu.memory_space<hbm>>)
      %lt3A_517 = arith.constant 31 : i32
      %lt3A_518 = arith.cmpi slt, %scan3A_263, %lt3A_517 : i32
      %convert_element_type3A_519 = arith.extui %lt3A_518 : i1 to i32
      %cond3A_520 = arith.constant 0 : i32
      %cond3A_521 = arith.cmpi ne, %convert_element_type3A_519, %cond3A_520 : i32
      scf.if %cond3A_521 {
        %add3A_678 = arith.constant 8 : i32
        %add3A_679 = arith.addi %add3A_471, %add3A_678 : i32
        %mul3A_680 = arith.constant 2 : i32
        %mul3A_681 = arith.muli %add3A_679, %mul3A_680 : i32
        %add3A_682 = arith.constant 0 : i32
        %add3A_683 = arith.addi %mul3A_681, %add3A_682 : i32
        %dma_start3A_684 = arith.constant 0 : i32
        %dma_start3A_685 = arith.constant 0 : i32
        %dma_start3A_686 = arith.constant 0 : i32
        %dma_start3A_687 = tpu.memref_slice %arg10[%dma_start3A_684, %dma_start3A_685, %dma_start3A_686] : memref<2x50x64xf32, #tpu.memory_space<vmem>> -> memref<1x50x64xf32, #tpu.memory_space<vmem>>
        %dma_start3A_688 = tpu.memref_squeeze %dma_start3A_687 : memref<1x50x64xf32, #tpu.memory_space<vmem>> -> memref<50x64xf32, #tpu.memory_space<vmem>>
        %dma_start3A_689 = arith.constant 0 : i32
        %dma_start3A_690 = tpu.memref_slice %arg5[%add3A_683, %dma_start3A_689] : memref<512x50xi32, #tpu.memory_space<vmem>> -> memref<1x50xi32, #tpu.memory_space<vmem>>
        %dma_start3A_691 = tpu.memref_squeeze %dma_start3A_690 : memref<1x50xi32, #tpu.memory_space<vmem>> -> memref<50xi32, #tpu.memory_space<vmem>>
        %dma_start3A_692 = arith.constant 0 : i32
        %dma_start3A_693 = arith.constant 0 : i32
        %dma_start3A_694 = tpu.memref_slice %arg2[%dma_start3A_692, %dma_start3A_693] : memref<1000000x64xf32, #tpu.memory_space<hbm>> -> memref<1000000x64xf32, #tpu.memory_space<hbm>>
        tpu.enqueue_indirect_dma source(%dma_start3A_694 : memref<1000000x64xf32, #tpu.memory_space<hbm>>) target(%dma_start3A_688 : memref<50x64xf32, #tpu.memory_space<vmem>>) offsets(%dma_start3A_691 : memref<50xi32, #tpu.memory_space<vmem>>) semaphore(%arg18 : memref<!tpu.dma_semaphore, #tpu.memory_space<semaphore_mem>>)
        %mul3A_695 = arith.constant 2 : i32
        %mul3A_696 = arith.muli %add3A_679, %mul3A_695 : i32
        %add3A_697 = arith.constant 1 : i32
        %add3A_698 = arith.addi %mul3A_696, %add3A_697 : i32
        %dma_start3A_699 = arith.constant 1 : i32
        %dma_start3A_700 = arith.constant 0 : i32
        %dma_start3A_701 = arith.constant 0 : i32
        %dma_start3A_702 = tpu.memref_slice %arg10[%dma_start3A_699, %dma_start3A_700, %dma_start3A_701] : memref<2x50x64xf32, #tpu.memory_space<vmem>> -> memref<1x50x64xf32, #tpu.memory_space<vmem>>
        %dma_start3A_703 = tpu.memref_squeeze %dma_start3A_702 : memref<1x50x64xf32, #tpu.memory_space<vmem>> -> memref<50x64xf32, #tpu.memory_space<vmem>>
        %dma_start3A_704 = arith.constant 0 : i32
        %dma_start3A_705 = tpu.memref_slice %arg5[%add3A_698, %dma_start3A_704] : memref<512x50xi32, #tpu.memory_space<vmem>> -> memref<1x50xi32, #tpu.memory_space<vmem>>
        %dma_start3A_706 = tpu.memref_squeeze %dma_start3A_705 : memref<1x50xi32, #tpu.memory_space<vmem>> -> memref<50xi32, #tpu.memory_space<vmem>>
        %dma_start3A_707 = arith.constant 0 : i32
        %dma_start3A_708 = arith.constant 0 : i32
        %dma_start3A_709 = tpu.memref_slice %arg2[%dma_start3A_707, %dma_start3A_708] : memref<1000000x64xf32, #tpu.memory_space<hbm>> -> memref<1000000x64xf32, #tpu.memory_space<hbm>>
        tpu.enqueue_indirect_dma source(%dma_start3A_709 : memref<1000000x64xf32, #tpu.memory_space<hbm>>) target(%dma_start3A_703 : memref<50x64xf32, #tpu.memory_space<vmem>>) offsets(%dma_start3A_706 : memref<50xi32, #tpu.memory_space<vmem>>) semaphore(%arg18 : memref<!tpu.dma_semaphore, #tpu.memory_space<semaphore_mem>>)
      } else {
      }
      %add3A_522 = arith.constant 5 : i32
      %add3A_523 = arith.addi %mul3A_265, %add3A_522 : i32
      %mul3A_524 = arith.constant 2 : i32
      %mul3A_525 = arith.muli %add3A_523, %mul3A_524 : i32
      %add3A_526 = arith.constant 0 : i32
      %add3A_527 = arith.addi %mul3A_525, %add3A_526 : i32
      %dma_wait3A_528 = arith.constant 0 : i32
      %dma_wait3A_529 = arith.constant 0 : i32
      %dma_wait3A_530 = arith.constant 0 : i32
      %dma_wait3A_531 = tpu.memref_slice %arg11[%dma_wait3A_528, %dma_wait3A_529, %dma_wait3A_530] : memref<2x50x64xf32, #tpu.memory_space<vmem>> -> memref<1x50x64xf32, #tpu.memory_space<vmem>>
      %dma_wait3A_532 = tpu.memref_squeeze %dma_wait3A_531 : memref<1x50x64xf32, #tpu.memory_space<vmem>> -> memref<50x64xf32, #tpu.memory_space<vmem>>
      %dma_wait3A_533 = arith.constant 0 : i32
      %dma_wait3A_534 = tpu.memref_slice %arg5[%add3A_527, %dma_wait3A_533] : memref<512x50xi32, #tpu.memory_space<vmem>> -> memref<1x50xi32, #tpu.memory_space<vmem>>
      %dma_wait3A_535 = tpu.memref_squeeze %dma_wait3A_534 : memref<1x50xi32, #tpu.memory_space<vmem>> -> memref<50xi32, #tpu.memory_space<vmem>>
      %dma_wait3A_536 = arith.constant 0 : i32
      %dma_wait3A_537 = arith.constant 0 : i32
      %dma_wait3A_538 = tpu.memref_slice %arg2[%dma_wait3A_536, %dma_wait3A_537] : memref<1000000x64xf32, #tpu.memory_space<hbm>> -> memref<1000000x64xf32, #tpu.memory_space<hbm>>
      tpu.wait_indirect_dma semaphore(%arg19 : memref<!tpu.dma_semaphore, #tpu.memory_space<semaphore_mem>>) src(%dma_wait3A_538 : memref<1000000x64xf32, #tpu.memory_space<hbm>>) dst(%dma_wait3A_532 : memref<50x64xf32, #tpu.memory_space<vmem>>)
      %mul3A_539 = arith.constant 2 : i32
      %mul3A_540 = arith.muli %add3A_523, %mul3A_539 : i32
      %add3A_541 = arith.constant 1 : i32
      %add3A_542 = arith.addi %mul3A_540, %add3A_541 : i32
      %dma_wait3A_543 = arith.constant 1 : i32
      %dma_wait3A_544 = arith.constant 0 : i32
      %dma_wait3A_545 = arith.constant 0 : i32
      %dma_wait3A_546 = tpu.memref_slice %arg11[%dma_wait3A_543, %dma_wait3A_544, %dma_wait3A_545] : memref<2x50x64xf32, #tpu.memory_space<vmem>> -> memref<1x50x64xf32, #tpu.memory_space<vmem>>
      %dma_wait3A_547 = tpu.memref_squeeze %dma_wait3A_546 : memref<1x50x64xf32, #tpu.memory_space<vmem>> -> memref<50x64xf32, #tpu.memory_space<vmem>>
      %dma_wait3A_548 = arith.constant 0 : i32
      %dma_wait3A_549 = tpu.memref_slice %arg5[%add3A_542, %dma_wait3A_548] : memref<512x50xi32, #tpu.memory_space<vmem>> -> memref<1x50xi32, #tpu.memory_space<vmem>>
      %dma_wait3A_550 = tpu.memref_squeeze %dma_wait3A_549 : memref<1x50xi32, #tpu.memory_space<vmem>> -> memref<50xi32, #tpu.memory_space<vmem>>
      %dma_wait3A_551 = arith.constant 0 : i32
      %dma_wait3A_552 = arith.constant 0 : i32
      %dma_wait3A_553 = tpu.memref_slice %arg2[%dma_wait3A_551, %dma_wait3A_552] : memref<1000000x64xf32, #tpu.memory_space<hbm>> -> memref<1000000x64xf32, #tpu.memory_space<hbm>>
      tpu.wait_indirect_dma semaphore(%arg19 : memref<!tpu.dma_semaphore, #tpu.memory_space<semaphore_mem>>) src(%dma_wait3A_553 : memref<1000000x64xf32, #tpu.memory_space<hbm>>) dst(%dma_wait3A_547 : memref<50x64xf32, #tpu.memory_space<vmem>>)
      %mul3A_554 = arith.constant 2 : i32
      %mul3A_555 = arith.muli %add3A_523, %mul3A_554 : i32
      %add3A_556 = arith.addi %mul3A_2, %mul3A_555 : i32
      %dma_start3A_557 = arith.constant 0 : i32
      %dma_start3A_558 = arith.constant 0 : i32
      %dma_start3A_559 = tpu.memref_slice %arg4[%add3A_556, %dma_start3A_557, %dma_start3A_558] : memref<16384x50x64xf32, #tpu.memory_space<hbm>> -> memref<2x50x64xf32, #tpu.memory_space<hbm>>
      %dma_start3A_560 = arith.constant 0 : i32
      %dma_start3A_561 = arith.constant 0 : i32
      %dma_start3A_562 = tpu.memref_slice %arg4[%add3A_556, %dma_start3A_560, %dma_start3A_561] : memref<16384x50x64xf32, #tpu.memory_space<hbm>> -> memref<2x50x64xf32, #tpu.memory_space<hbm>>
      tpu.enqueue_dma source(%arg11 : memref<2x50x64xf32, #tpu.memory_space<vmem>>) target(%dma_start3A_562 : memref<2x50x64xf32, #tpu.memory_space<hbm>>) target_semaphore(%arg27 : memref<!tpu.dma_semaphore, #tpu.memory_space<semaphore_mem>>)
      %dma_wait3A_563 = arith.constant 0 : i32
      %dma_wait3A_564 = arith.constant 0 : i32
      %dma_wait3A_565 = tpu.memref_slice %arg4[%add3A_556, %dma_wait3A_563, %dma_wait3A_564] : memref<16384x50x64xf32, #tpu.memory_space<hbm>> -> memref<2x50x64xf32, #tpu.memory_space<hbm>>
      %dma_wait3A_566 = arith.constant 0 : i32
      %dma_wait3A_567 = arith.constant 0 : i32
      %dma_wait3A_568 = tpu.memref_slice %arg4[%add3A_556, %dma_wait3A_566, %dma_wait3A_567] : memref<16384x50x64xf32, #tpu.memory_space<hbm>> -> memref<2x50x64xf32, #tpu.memory_space<hbm>>
      tpu.wait_dma2 semaphore(%arg27 : memref<!tpu.dma_semaphore, #tpu.memory_space<semaphore_mem>>) src(%arg11 : memref<2x50x64xf32, #tpu.memory_space<vmem>>) dst(%dma_wait3A_568 : memref<2x50x64xf32, #tpu.memory_space<hbm>>)
      %lt3A_569 = arith.constant 31 : i32
      %lt3A_570 = arith.cmpi slt, %scan3A_263, %lt3A_569 : i32
      %convert_element_type3A_571 = arith.extui %lt3A_570 : i1 to i32
      %cond3A_572 = arith.constant 0 : i32
      %cond3A_573 = arith.cmpi ne, %convert_element_type3A_571, %cond3A_572 : i32
      scf.if %cond3A_573 {
        %add3A_678 = arith.constant 8 : i32
        %add3A_679 = arith.addi %add3A_523, %add3A_678 : i32
        %mul3A_680 = arith.constant 2 : i32
        %mul3A_681 = arith.muli %add3A_679, %mul3A_680 : i32
        %add3A_682 = arith.constant 0 : i32
        %add3A_683 = arith.addi %mul3A_681, %add3A_682 : i32
        %dma_start3A_684 = arith.constant 0 : i32
        %dma_start3A_685 = arith.constant 0 : i32
        %dma_start3A_686 = arith.constant 0 : i32
        %dma_start3A_687 = tpu.memref_slice %arg11[%dma_start3A_684, %dma_start3A_685, %dma_start3A_686] : memref<2x50x64xf32, #tpu.memory_space<vmem>> -> memref<1x50x64xf32, #tpu.memory_space<vmem>>
        %dma_start3A_688 = tpu.memref_squeeze %dma_start3A_687 : memref<1x50x64xf32, #tpu.memory_space<vmem>> -> memref<50x64xf32, #tpu.memory_space<vmem>>
        %dma_start3A_689 = arith.constant 0 : i32
        %dma_start3A_690 = tpu.memref_slice %arg5[%add3A_683, %dma_start3A_689] : memref<512x50xi32, #tpu.memory_space<vmem>> -> memref<1x50xi32, #tpu.memory_space<vmem>>
        %dma_start3A_691 = tpu.memref_squeeze %dma_start3A_690 : memref<1x50xi32, #tpu.memory_space<vmem>> -> memref<50xi32, #tpu.memory_space<vmem>>
        %dma_start3A_692 = arith.constant 0 : i32
        %dma_start3A_693 = arith.constant 0 : i32
        %dma_start3A_694 = tpu.memref_slice %arg2[%dma_start3A_692, %dma_start3A_693] : memref<1000000x64xf32, #tpu.memory_space<hbm>> -> memref<1000000x64xf32, #tpu.memory_space<hbm>>
        tpu.enqueue_indirect_dma source(%dma_start3A_694 : memref<1000000x64xf32, #tpu.memory_space<hbm>>) target(%dma_start3A_688 : memref<50x64xf32, #tpu.memory_space<vmem>>) offsets(%dma_start3A_691 : memref<50xi32, #tpu.memory_space<vmem>>) semaphore(%arg19 : memref<!tpu.dma_semaphore, #tpu.memory_space<semaphore_mem>>)
        %mul3A_695 = arith.constant 2 : i32
        %mul3A_696 = arith.muli %add3A_679, %mul3A_695 : i32
        %add3A_697 = arith.constant 1 : i32
        %add3A_698 = arith.addi %mul3A_696, %add3A_697 : i32
        %dma_start3A_699 = arith.constant 1 : i32
        %dma_start3A_700 = arith.constant 0 : i32
        %dma_start3A_701 = arith.constant 0 : i32
        %dma_start3A_702 = tpu.memref_slice %arg11[%dma_start3A_699, %dma_start3A_700, %dma_start3A_701] : memref<2x50x64xf32, #tpu.memory_space<vmem>> -> memref<1x50x64xf32, #tpu.memory_space<vmem>>
        %dma_start3A_703 = tpu.memref_squeeze %dma_start3A_702 : memref<1x50x64xf32, #tpu.memory_space<vmem>> -> memref<50x64xf32, #tpu.memory_space<vmem>>
        %dma_start3A_704 = arith.constant 0 : i32
        %dma_start3A_705 = tpu.memref_slice %arg5[%add3A_698, %dma_start3A_704] : memref<512x50xi32, #tpu.memory_space<vmem>> -> memref<1x50xi32, #tpu.memory_space<vmem>>
        %dma_start3A_706 = tpu.memref_squeeze %dma_start3A_705 : memref<1x50xi32, #tpu.memory_space<vmem>> -> memref<50xi32, #tpu.memory_space<vmem>>
        %dma_start3A_707 = arith.constant 0 : i32
        %dma_start3A_708 = arith.constant 0 : i32
        %dma_start3A_709 = tpu.memref_slice %arg2[%dma_start3A_707, %dma_start3A_708] : memref<1000000x64xf32, #tpu.memory_space<hbm>> -> memref<1000000x64xf32, #tpu.memory_space<hbm>>
        tpu.enqueue_indirect_dma source(%dma_start3A_709 : memref<1000000x64xf32, #tpu.memory_space<hbm>>) target(%dma_start3A_703 : memref<50x64xf32, #tpu.memory_space<vmem>>) offsets(%dma_start3A_706 : memref<50xi32, #tpu.memory_space<vmem>>) semaphore(%arg19 : memref<!tpu.dma_semaphore, #tpu.memory_space<semaphore_mem>>)
      } else {
      }
      %add3A_574 = arith.constant 6 : i32
      %add3A_575 = arith.addi %mul3A_265, %add3A_574 : i32
      %mul3A_576 = arith.constant 2 : i32
      %mul3A_577 = arith.muli %add3A_575, %mul3A_576 : i32
      %add3A_578 = arith.constant 0 : i32
      %add3A_579 = arith.addi %mul3A_577, %add3A_578 : i32
      %dma_wait3A_580 = arith.constant 0 : i32
      %dma_wait3A_581 = arith.constant 0 : i32
      %dma_wait3A_582 = arith.constant 0 : i32
      %dma_wait3A_583 = tpu.memref_slice %arg12[%dma_wait3A_580, %dma_wait3A_581, %dma_wait3A_582] : memref<2x50x64xf32, #tpu.memory_space<vmem>> -> memref<1x50x64xf32, #tpu.memory_space<vmem>>
      %dma_wait3A_584 = tpu.memref_squeeze %dma_wait3A_583 : memref<1x50x64xf32, #tpu.memory_space<vmem>> -> memref<50x64xf32, #tpu.memory_space<vmem>>
      %dma_wait3A_585 = arith.constant 0 : i32
      %dma_wait3A_586 = tpu.memref_slice %arg5[%add3A_579, %dma_wait3A_585] : memref<512x50xi32, #tpu.memory_space<vmem>> -> memref<1x50xi32, #tpu.memory_space<vmem>>
      %dma_wait3A_587 = tpu.memref_squeeze %dma_wait3A_586 : memref<1x50xi32, #tpu.memory_space<vmem>> -> memref<50xi32, #tpu.memory_space<vmem>>
      %dma_wait3A_588 = arith.constant 0 : i32
      %dma_wait3A_589 = arith.constant 0 : i32
      %dma_wait3A_590 = tpu.memref_slice %arg2[%dma_wait3A_588, %dma_wait3A_589] : memref<1000000x64xf32, #tpu.memory_space<hbm>> -> memref<1000000x64xf32, #tpu.memory_space<hbm>>
      tpu.wait_indirect_dma semaphore(%arg20 : memref<!tpu.dma_semaphore, #tpu.memory_space<semaphore_mem>>) src(%dma_wait3A_590 : memref<1000000x64xf32, #tpu.memory_space<hbm>>) dst(%dma_wait3A_584 : memref<50x64xf32, #tpu.memory_space<vmem>>)
      %mul3A_591 = arith.constant 2 : i32
      %mul3A_592 = arith.muli %add3A_575, %mul3A_591 : i32
      %add3A_593 = arith.constant 1 : i32
      %add3A_594 = arith.addi %mul3A_592, %add3A_593 : i32
      %dma_wait3A_595 = arith.constant 1 : i32
      %dma_wait3A_596 = arith.constant 0 : i32
      %dma_wait3A_597 = arith.constant 0 : i32
      %dma_wait3A_598 = tpu.memref_slice %arg12[%dma_wait3A_595, %dma_wait3A_596, %dma_wait3A_597] : memref<2x50x64xf32, #tpu.memory_space<vmem>> -> memref<1x50x64xf32, #tpu.memory_space<vmem>>
      %dma_wait3A_599 = tpu.memref_squeeze %dma_wait3A_598 : memref<1x50x64xf32, #tpu.memory_space<vmem>> -> memref<50x64xf32, #tpu.memory_space<vmem>>
      %dma_wait3A_600 = arith.constant 0 : i32
      %dma_wait3A_601 = tpu.memref_slice %arg5[%add3A_594, %dma_wait3A_600] : memref<512x50xi32, #tpu.memory_space<vmem>> -> memref<1x50xi32, #tpu.memory_space<vmem>>
      %dma_wait3A_602 = tpu.memref_squeeze %dma_wait3A_601 : memref<1x50xi32, #tpu.memory_space<vmem>> -> memref<50xi32, #tpu.memory_space<vmem>>
      %dma_wait3A_603 = arith.constant 0 : i32
      %dma_wait3A_604 = arith.constant 0 : i32
      %dma_wait3A_605 = tpu.memref_slice %arg2[%dma_wait3A_603, %dma_wait3A_604] : memref<1000000x64xf32, #tpu.memory_space<hbm>> -> memref<1000000x64xf32, #tpu.memory_space<hbm>>
      tpu.wait_indirect_dma semaphore(%arg20 : memref<!tpu.dma_semaphore, #tpu.memory_space<semaphore_mem>>) src(%dma_wait3A_605 : memref<1000000x64xf32, #tpu.memory_space<hbm>>) dst(%dma_wait3A_599 : memref<50x64xf32, #tpu.memory_space<vmem>>)
      %mul3A_606 = arith.constant 2 : i32
      %mul3A_607 = arith.muli %add3A_575, %mul3A_606 : i32
      %add3A_608 = arith.addi %mul3A_2, %mul3A_607 : i32
      %dma_start3A_609 = arith.constant 0 : i32
      %dma_start3A_610 = arith.constant 0 : i32
      %dma_start3A_611 = tpu.memref_slice %arg4[%add3A_608, %dma_start3A_609, %dma_start3A_610] : memref<16384x50x64xf32, #tpu.memory_space<hbm>> -> memref<2x50x64xf32, #tpu.memory_space<hbm>>
      %dma_start3A_612 = arith.constant 0 : i32
      %dma_start3A_613 = arith.constant 0 : i32
      %dma_start3A_614 = tpu.memref_slice %arg4[%add3A_608, %dma_start3A_612, %dma_start3A_613] : memref<16384x50x64xf32, #tpu.memory_space<hbm>> -> memref<2x50x64xf32, #tpu.memory_space<hbm>>
      tpu.enqueue_dma source(%arg12 : memref<2x50x64xf32, #tpu.memory_space<vmem>>) target(%dma_start3A_614 : memref<2x50x64xf32, #tpu.memory_space<hbm>>) target_semaphore(%arg28 : memref<!tpu.dma_semaphore, #tpu.memory_space<semaphore_mem>>)
      %dma_wait3A_615 = arith.constant 0 : i32
      %dma_wait3A_616 = arith.constant 0 : i32
      %dma_wait3A_617 = tpu.memref_slice %arg4[%add3A_608, %dma_wait3A_615, %dma_wait3A_616] : memref<16384x50x64xf32, #tpu.memory_space<hbm>> -> memref<2x50x64xf32, #tpu.memory_space<hbm>>
      %dma_wait3A_618 = arith.constant 0 : i32
      %dma_wait3A_619 = arith.constant 0 : i32
      %dma_wait3A_620 = tpu.memref_slice %arg4[%add3A_608, %dma_wait3A_618, %dma_wait3A_619] : memref<16384x50x64xf32, #tpu.memory_space<hbm>> -> memref<2x50x64xf32, #tpu.memory_space<hbm>>
      tpu.wait_dma2 semaphore(%arg28 : memref<!tpu.dma_semaphore, #tpu.memory_space<semaphore_mem>>) src(%arg12 : memref<2x50x64xf32, #tpu.memory_space<vmem>>) dst(%dma_wait3A_620 : memref<2x50x64xf32, #tpu.memory_space<hbm>>)
      %lt3A_621 = arith.constant 31 : i32
      %lt3A_622 = arith.cmpi slt, %scan3A_263, %lt3A_621 : i32
      %convert_element_type3A_623 = arith.extui %lt3A_622 : i1 to i32
      %cond3A_624 = arith.constant 0 : i32
      %cond3A_625 = arith.cmpi ne, %convert_element_type3A_623, %cond3A_624 : i32
      scf.if %cond3A_625 {
        %add3A_678 = arith.constant 8 : i32
        %add3A_679 = arith.addi %add3A_575, %add3A_678 : i32
        %mul3A_680 = arith.constant 2 : i32
        %mul3A_681 = arith.muli %add3A_679, %mul3A_680 : i32
        %add3A_682 = arith.constant 0 : i32
        %add3A_683 = arith.addi %mul3A_681, %add3A_682 : i32
        %dma_start3A_684 = arith.constant 0 : i32
        %dma_start3A_685 = arith.constant 0 : i32
        %dma_start3A_686 = arith.constant 0 : i32
        %dma_start3A_687 = tpu.memref_slice %arg12[%dma_start3A_684, %dma_start3A_685, %dma_start3A_686] : memref<2x50x64xf32, #tpu.memory_space<vmem>> -> memref<1x50x64xf32, #tpu.memory_space<vmem>>
        %dma_start3A_688 = tpu.memref_squeeze %dma_start3A_687 : memref<1x50x64xf32, #tpu.memory_space<vmem>> -> memref<50x64xf32, #tpu.memory_space<vmem>>
        %dma_start3A_689 = arith.constant 0 : i32
        %dma_start3A_690 = tpu.memref_slice %arg5[%add3A_683, %dma_start3A_689] : memref<512x50xi32, #tpu.memory_space<vmem>> -> memref<1x50xi32, #tpu.memory_space<vmem>>
        %dma_start3A_691 = tpu.memref_squeeze %dma_start3A_690 : memref<1x50xi32, #tpu.memory_space<vmem>> -> memref<50xi32, #tpu.memory_space<vmem>>
        %dma_start3A_692 = arith.constant 0 : i32
        %dma_start3A_693 = arith.constant 0 : i32
        %dma_start3A_694 = tpu.memref_slice %arg2[%dma_start3A_692, %dma_start3A_693] : memref<1000000x64xf32, #tpu.memory_space<hbm>> -> memref<1000000x64xf32, #tpu.memory_space<hbm>>
        tpu.enqueue_indirect_dma source(%dma_start3A_694 : memref<1000000x64xf32, #tpu.memory_space<hbm>>) target(%dma_start3A_688 : memref<50x64xf32, #tpu.memory_space<vmem>>) offsets(%dma_start3A_691 : memref<50xi32, #tpu.memory_space<vmem>>) semaphore(%arg20 : memref<!tpu.dma_semaphore, #tpu.memory_space<semaphore_mem>>)
        %mul3A_695 = arith.constant 2 : i32
        %mul3A_696 = arith.muli %add3A_679, %mul3A_695 : i32
        %add3A_697 = arith.constant 1 : i32
        %add3A_698 = arith.addi %mul3A_696, %add3A_697 : i32
        %dma_start3A_699 = arith.constant 1 : i32
        %dma_start3A_700 = arith.constant 0 : i32
        %dma_start3A_701 = arith.constant 0 : i32
        %dma_start3A_702 = tpu.memref_slice %arg12[%dma_start3A_699, %dma_start3A_700, %dma_start3A_701] : memref<2x50x64xf32, #tpu.memory_space<vmem>> -> memref<1x50x64xf32, #tpu.memory_space<vmem>>
        %dma_start3A_703 = tpu.memref_squeeze %dma_start3A_702 : memref<1x50x64xf32, #tpu.memory_space<vmem>> -> memref<50x64xf32, #tpu.memory_space<vmem>>
        %dma_start3A_704 = arith.constant 0 : i32
        %dma_start3A_705 = tpu.memref_slice %arg5[%add3A_698, %dma_start3A_704] : memref<512x50xi32, #tpu.memory_space<vmem>> -> memref<1x50xi32, #tpu.memory_space<vmem>>
        %dma_start3A_706 = tpu.memref_squeeze %dma_start3A_705 : memref<1x50xi32, #tpu.memory_space<vmem>> -> memref<50xi32, #tpu.memory_space<vmem>>
        %dma_start3A_707 = arith.constant 0 : i32
        %dma_start3A_708 = arith.constant 0 : i32
        %dma_start3A_709 = tpu.memref_slice %arg2[%dma_start3A_707, %dma_start3A_708] : memref<1000000x64xf32, #tpu.memory_space<hbm>> -> memref<1000000x64xf32, #tpu.memory_space<hbm>>
        tpu.enqueue_indirect_dma source(%dma_start3A_709 : memref<1000000x64xf32, #tpu.memory_space<hbm>>) target(%dma_start3A_703 : memref<50x64xf32, #tpu.memory_space<vmem>>) offsets(%dma_start3A_706 : memref<50xi32, #tpu.memory_space<vmem>>) semaphore(%arg20 : memref<!tpu.dma_semaphore, #tpu.memory_space<semaphore_mem>>)
      } else {
      }
      %add3A_626 = arith.constant 7 : i32
      %add3A_627 = arith.addi %mul3A_265, %add3A_626 : i32
      %mul3A_628 = arith.constant 2 : i32
      %mul3A_629 = arith.muli %add3A_627, %mul3A_628 : i32
      %add3A_630 = arith.constant 0 : i32
      %add3A_631 = arith.addi %mul3A_629, %add3A_630 : i32
      %dma_wait3A_632 = arith.constant 0 : i32
      %dma_wait3A_633 = arith.constant 0 : i32
      %dma_wait3A_634 = arith.constant 0 : i32
      %dma_wait3A_635 = tpu.memref_slice %arg13[%dma_wait3A_632, %dma_wait3A_633, %dma_wait3A_634] : memref<2x50x64xf32, #tpu.memory_space<vmem>> -> memref<1x50x64xf32, #tpu.memory_space<vmem>>
      %dma_wait3A_636 = tpu.memref_squeeze %dma_wait3A_635 : memref<1x50x64xf32, #tpu.memory_space<vmem>> -> memref<50x64xf32, #tpu.memory_space<vmem>>
      %dma_wait3A_637 = arith.constant 0 : i32
      %dma_wait3A_638 = tpu.memref_slice %arg5[%add3A_631, %dma_wait3A_637] : memref<512x50xi32, #tpu.memory_space<vmem>> -> memref<1x50xi32, #tpu.memory_space<vmem>>
      %dma_wait3A_639 = tpu.memref_squeeze %dma_wait3A_638 : memref<1x50xi32, #tpu.memory_space<vmem>> -> memref<50xi32, #tpu.memory_space<vmem>>
      %dma_wait3A_640 = arith.constant 0 : i32
      %dma_wait3A_641 = arith.constant 0 : i32
      %dma_wait3A_642 = tpu.memref_slice %arg2[%dma_wait3A_640, %dma_wait3A_641] : memref<1000000x64xf32, #tpu.memory_space<hbm>> -> memref<1000000x64xf32, #tpu.memory_space<hbm>>
      tpu.wait_indirect_dma semaphore(%arg21 : memref<!tpu.dma_semaphore, #tpu.memory_space<semaphore_mem>>) src(%dma_wait3A_642 : memref<1000000x64xf32, #tpu.memory_space<hbm>>) dst(%dma_wait3A_636 : memref<50x64xf32, #tpu.memory_space<vmem>>)
      %mul3A_643 = arith.constant 2 : i32
      %mul3A_644 = arith.muli %add3A_627, %mul3A_643 : i32
      %add3A_645 = arith.constant 1 : i32
      %add3A_646 = arith.addi %mul3A_644, %add3A_645 : i32
      %dma_wait3A_647 = arith.constant 1 : i32
      %dma_wait3A_648 = arith.constant 0 : i32
      %dma_wait3A_649 = arith.constant 0 : i32
      %dma_wait3A_650 = tpu.memref_slice %arg13[%dma_wait3A_647, %dma_wait3A_648, %dma_wait3A_649] : memref<2x50x64xf32, #tpu.memory_space<vmem>> -> memref<1x50x64xf32, #tpu.memory_space<vmem>>
      %dma_wait3A_651 = tpu.memref_squeeze %dma_wait3A_650 : memref<1x50x64xf32, #tpu.memory_space<vmem>> -> memref<50x64xf32, #tpu.memory_space<vmem>>
      %dma_wait3A_652 = arith.constant 0 : i32
      %dma_wait3A_653 = tpu.memref_slice %arg5[%add3A_646, %dma_wait3A_652] : memref<512x50xi32, #tpu.memory_space<vmem>> -> memref<1x50xi32, #tpu.memory_space<vmem>>
      %dma_wait3A_654 = tpu.memref_squeeze %dma_wait3A_653 : memref<1x50xi32, #tpu.memory_space<vmem>> -> memref<50xi32, #tpu.memory_space<vmem>>
      %dma_wait3A_655 = arith.constant 0 : i32
      %dma_wait3A_656 = arith.constant 0 : i32
      %dma_wait3A_657 = tpu.memref_slice %arg2[%dma_wait3A_655, %dma_wait3A_656] : memref<1000000x64xf32, #tpu.memory_space<hbm>> -> memref<1000000x64xf32, #tpu.memory_space<hbm>>
      tpu.wait_indirect_dma semaphore(%arg21 : memref<!tpu.dma_semaphore, #tpu.memory_space<semaphore_mem>>) src(%dma_wait3A_657 : memref<1000000x64xf32, #tpu.memory_space<hbm>>) dst(%dma_wait3A_651 : memref<50x64xf32, #tpu.memory_space<vmem>>)
      %mul3A_658 = arith.constant 2 : i32
      %mul3A_659 = arith.muli %add3A_627, %mul3A_658 : i32
      %add3A_660 = arith.addi %mul3A_2, %mul3A_659 : i32
      %dma_start3A_661 = arith.constant 0 : i32
      %dma_start3A_662 = arith.constant 0 : i32
      %dma_start3A_663 = tpu.memref_slice %arg4[%add3A_660, %dma_start3A_661, %dma_start3A_662] : memref<16384x50x64xf32, #tpu.memory_space<hbm>> -> memref<2x50x64xf32, #tpu.memory_space<hbm>>
      %dma_start3A_664 = arith.constant 0 : i32
      %dma_start3A_665 = arith.constant 0 : i32
      %dma_start3A_666 = tpu.memref_slice %arg4[%add3A_660, %dma_start3A_664, %dma_start3A_665] : memref<16384x50x64xf32, #tpu.memory_space<hbm>> -> memref<2x50x64xf32, #tpu.memory_space<hbm>>
      tpu.enqueue_dma source(%arg13 : memref<2x50x64xf32, #tpu.memory_space<vmem>>) target(%dma_start3A_666 : memref<2x50x64xf32, #tpu.memory_space<hbm>>) target_semaphore(%arg29 : memref<!tpu.dma_semaphore, #tpu.memory_space<semaphore_mem>>)
      %dma_wait3A_667 = arith.constant 0 : i32
      %dma_wait3A_668 = arith.constant 0 : i32
      %dma_wait3A_669 = tpu.memref_slice %arg4[%add3A_660, %dma_wait3A_667, %dma_wait3A_668] : memref<16384x50x64xf32, #tpu.memory_space<hbm>> -> memref<2x50x64xf32, #tpu.memory_space<hbm>>
      %dma_wait3A_670 = arith.constant 0 : i32
      %dma_wait3A_671 = arith.constant 0 : i32
      %dma_wait3A_672 = tpu.memref_slice %arg4[%add3A_660, %dma_wait3A_670, %dma_wait3A_671] : memref<16384x50x64xf32, #tpu.memory_space<hbm>> -> memref<2x50x64xf32, #tpu.memory_space<hbm>>
      tpu.wait_dma2 semaphore(%arg29 : memref<!tpu.dma_semaphore, #tpu.memory_space<semaphore_mem>>) src(%arg13 : memref<2x50x64xf32, #tpu.memory_space<vmem>>) dst(%dma_wait3A_672 : memref<2x50x64xf32, #tpu.memory_space<hbm>>)
      %lt3A_673 = arith.constant 31 : i32
      %lt3A_674 = arith.cmpi slt, %scan3A_263, %lt3A_673 : i32
      %convert_element_type3A_675 = arith.extui %lt3A_674 : i1 to i32
      %cond3A_676 = arith.constant 0 : i32
      %cond3A_677 = arith.cmpi ne, %convert_element_type3A_675, %cond3A_676 : i32
      scf.if %cond3A_677 {
        %add3A_678 = arith.constant 8 : i32
        %add3A_679 = arith.addi %add3A_627, %add3A_678 : i32
        %mul3A_680 = arith.constant 2 : i32
        %mul3A_681 = arith.muli %add3A_679, %mul3A_680 : i32
        %add3A_682 = arith.constant 0 : i32
        %add3A_683 = arith.addi %mul3A_681, %add3A_682 : i32
        %dma_start3A_684 = arith.constant 0 : i32
        %dma_start3A_685 = arith.constant 0 : i32
        %dma_start3A_686 = arith.constant 0 : i32
        %dma_start3A_687 = tpu.memref_slice %arg13[%dma_start3A_684, %dma_start3A_685, %dma_start3A_686] : memref<2x50x64xf32, #tpu.memory_space<vmem>> -> memref<1x50x64xf32, #tpu.memory_space<vmem>>
        %dma_start3A_688 = tpu.memref_squeeze %dma_start3A_687 : memref<1x50x64xf32, #tpu.memory_space<vmem>> -> memref<50x64xf32, #tpu.memory_space<vmem>>
        %dma_start3A_689 = arith.constant 0 : i32
        %dma_start3A_690 = tpu.memref_slice %arg5[%add3A_683, %dma_start3A_689] : memref<512x50xi32, #tpu.memory_space<vmem>> -> memref<1x50xi32, #tpu.memory_space<vmem>>
        %dma_start3A_691 = tpu.memref_squeeze %dma_start3A_690 : memref<1x50xi32, #tpu.memory_space<vmem>> -> memref<50xi32, #tpu.memory_space<vmem>>
        %dma_start3A_692 = arith.constant 0 : i32
        %dma_start3A_693 = arith.constant 0 : i32
        %dma_start3A_694 = tpu.memref_slice %arg2[%dma_start3A_692, %dma_start3A_693] : memref<1000000x64xf32, #tpu.memory_space<hbm>> -> memref<1000000x64xf32, #tpu.memory_space<hbm>>
        tpu.enqueue_indirect_dma source(%dma_start3A_694 : memref<1000000x64xf32, #tpu.memory_space<hbm>>) target(%dma_start3A_688 : memref<50x64xf32, #tpu.memory_space<vmem>>) offsets(%dma_start3A_691 : memref<50xi32, #tpu.memory_space<vmem>>) semaphore(%arg21 : memref<!tpu.dma_semaphore, #tpu.memory_space<semaphore_mem>>)
        %mul3A_695 = arith.constant 2 : i32
        %mul3A_696 = arith.muli %add3A_679, %mul3A_695 : i32
        %add3A_697 = arith.constant 1 : i32
        %add3A_698 = arith.addi %mul3A_696, %add3A_697 : i32
        %dma_start3A_699 = arith.constant 1 : i32
        %dma_start3A_700 = arith.constant 0 : i32
        %dma_start3A_701 = arith.constant 0 : i32
        %dma_start3A_702 = tpu.memref_slice %arg13[%dma_start3A_699, %dma_start3A_700, %dma_start3A_701] : memref<2x50x64xf32, #tpu.memory_space<vmem>> -> memref<1x50x64xf32, #tpu.memory_space<vmem>>
        %dma_start3A_703 = tpu.memref_squeeze %dma_start3A_702 : memref<1x50x64xf32, #tpu.memory_space<vmem>> -> memref<50x64xf32, #tpu.memory_space<vmem>>
        %dma_start3A_704 = arith.constant 0 : i32
        %dma_start3A_705 = tpu.memref_slice %arg5[%add3A_698, %dma_start3A_704] : memref<512x50xi32, #tpu.memory_space<vmem>> -> memref<1x50xi32, #tpu.memory_space<vmem>>
        %dma_start3A_706 = tpu.memref_squeeze %dma_start3A_705 : memref<1x50xi32, #tpu.memory_space<vmem>> -> memref<50xi32, #tpu.memory_space<vmem>>
        %dma_start3A_707 = arith.constant 0 : i32
        %dma_start3A_708 = arith.constant 0 : i32
        %dma_start3A_709 = tpu.memref_slice %arg2[%dma_start3A_707, %dma_start3A_708] : memref<1000000x64xf32, #tpu.memory_space<hbm>> -> memref<1000000x64xf32, #tpu.memory_space<hbm>>
        tpu.enqueue_indirect_dma source(%dma_start3A_709 : memref<1000000x64xf32, #tpu.memory_space<hbm>>) target(%dma_start3A_703 : memref<50x64xf32, #tpu.memory_space<vmem>>) offsets(%dma_start3A_706 : memref<50xi32, #tpu.memory_space<vmem>>) semaphore(%arg21 : memref<!tpu.dma_semaphore, #tpu.memory_space<semaphore_mem>>)
      } else {
      }
    }
    %scan3A_262 = arith.constant 32 : i32
    return
  }
}

</mosaic_0001>

<sc_bundles>
// kernel: kernel.3.cloned.1.call-start
scs
__scs_entry_jumppad:
0x0: {  	(pc) =	sbr.rel $0x88, $3  }
0x1: {  	(tag) =	ssettag $0x0;
	lr =	simm.s32 $0x1  }
0x2: {  	[smem:$0x3F9F] =	sst lr;
	_ =	strace $0xD0000000  }
0x3: {  	_ = 	snop  }
0x4: {  	_ = 	snop  }
0x5: {  	_ = 	snop  }
0x6: {  	_ = 	snop  }
0x7: {  	_ = 	snop  }
__scs_overlays_trampoline_lowered:
0x8: {  	[smem:$0x3FAE] =	sst s0  }
0x9: {  	[smem:$0x3FAF] =	sst s1  }
0xa: {  	[smem:$0x3FB0] =	sst s2  }
0xb: {  	[smem:$0x3FB1] =	sst s3  }
0xc: {  	[smem:$0x3FB2] =	sst s4  }
0xd: {  	[smem:$0x3FB3] =	sst s5  }
0xe: {  	[smem:$0x3FB4] =	sst s6  }
0xf: {  	[smem:$0x3FB5] =	sst s7  }
0x10: {  	[smem:$0x3FB6] =	sst s8  }
0x11: {  	[smem:$0x3FB7] =	sst s9;
	s0 =	simm.s32 @!p0 $0x0  }
0x12: {  	s1 =	sld [smem:$0x3F9D];
	s0 =	simm.s32 @p0 $0x1  }
0x13: {  	[smem:$0x3FB8] =	sst s0;
	s0 =	simm.s32 @!p1 $0x0  }
0x14: {  	s2 =	sld [smem:$0x3F9C];
	s0 =	simm.s32 @p1 $0x1  }
0x15: {  	[smem:$0x3FB9] =	sst s0;
	s0 =	simm.s32 @!p2 $0x0  }
0x16: {  	s3 =	sld [smem:$0x3FDB];
	s0 =	simm.s32 @p2 $0x1  }
0x17: {  	s4 =	simm.s32 $0x1BF5;
	[smem:$0x3FBB] =	sst s0  }
0x18: {  	s0 =	sld [smem:$0x3F9E];
	_ =	swait.ge [sflag:s4], $0x0  }
0x19: {  	s7 =	sld [smem:$0x3F9F]  }
0x1a: {  	s8 =	sadd.s32 $0xFFFFE003, lr  }
0x1b: {  	s9 =	sadd.s32 $0xFFFFFEF7, lr;
	s5 =	simm.s32 $0xFFFFFFFF;
	p2 =	slt.u32 s8, $0xFFFFF086  }
0x1c: {  	p1 =	slt.u32 s9, $0xF7A;
	s5 =	simm.s32 @!p2 $0x0  }
0x1d: {  	s5 =	simm.s32 @p1 $0x1;
	p0 =	seq.s32 s7, s2  }
0x1e: {  	s7 =	smul.u32 @!p0 $0xF7A, s2;
	p2 =	seq.s32 @!p0 s5, $0x0  }
0x1f: {  	s9 =	smul.u32 $0xF7A, s1;
	s8 =	simm.s32 @!p0 $0x1BF5;
	p2 =	por !p2, p0  }
0x20: {  	[sflag:s8] =	ssyncset.s32 @!p0 $0xFFFFF086;
	s6 =	sadd.s32 @!p0 s3, s7;
	s7 =	simm.s32 @!p0 $0x108  }
0x21: {  	s3 =	sadd.s32 s3, s9;
	s6 =	sadd.s32 @!p0 $0x88, s6;
	s7 =	simm.s32 @p2 $0x1082  }
0x22: {  	[simem:s7], [sflag:s8] =	dma.local @!p0 [hbm:s6], $0xF7A  }
0x23: {  	s9 =	sor.u32 $0xD0000000, s2;
	s6 =	simm.s32 $0x108;
	_ =	swait.ge @!p0 [sflag:s8], $0x0  }
0x24: {  	s3 =	sadd.s32 $0x88, s3;
	s6 =	simm.s32 @!p1 $0x1082;
	[sflag:s4] =	ssyncset.s32 $0xFFFFF086  }
0x25: {  	[simem:s6], [sflag:s4] =	dma.local [hbm:s3], $0xF7A  }
0x26: {  	[smem:$0x3F9F] =	sst s1;
	(tag) =	ssettag s2;
	_ =	strace s9  }
0x27: {  	s1 =	sld [smem:$0x3FAF]  }
0x28: {  	s2 =	sld [smem:$0x3FB0]  }
0x29: {  	s4 =	sld [smem:$0x3FB2]  }
0x2a: {  	p0 =	seq.s32 s5, $0x0;
	s5 =	sld [smem:$0x3FB3]  }
0x2b: {  	s6 =	sld [smem:$0x3FB4]  }
0x2c: {  	s7 =	sld [smem:$0x3FB5]  }
0x2d: {  	s3 =	simm.s32 $0x108;
	s8 =	sld [smem:$0x3FB6]  }
0x2e: {  	s3 =	simm.s32 @!p0 $0x1082;
	s9 =	sld [smem:$0x3FB7]  }
0x2f: {  	lr =	sadd.s32 s0, s3;
	s0 =	sld [smem:$0x3FAE]  }
0x30: {  	s3 =	sld [smem:$0x3FB1]  }
0x31: {  	[smem:$0x3FBA] =	sst s10  }
0x32: {  	s10 =	sld [smem:$0x3FB8];
	_ =	sdelay $0x3  }
0x33: {  	p0 =	seq.s32 s10, $0x1;
	s10 =	sld [smem:$0x3FBA];
	_ =	sdelay $0x3  }
0x34: {  	[smem:$0x3FBA] =	sst s10  }
0x35: {  	s10 =	sld [smem:$0x3FB9];
	_ =	sdelay $0x3  }
0x36: {  	p1 =	seq.s32 s10, $0x1;
	s10 =	sld [smem:$0x3FBA];
	_ =	sdelay $0x3  }
0x37: {  	[smem:$0x3FBA] =	sst s10  }
0x38: {  	s10 =	sld [smem:$0x3FBB]  }
0x39: {  	_ = 	snop;
	(pc) =	sbr.ind lr, $3  }
0x3a: {  	_ = 	snop  }
0x3b: {  	_ = 	snop  }
0x3c: {  	p2 =	seq.s32 s10, $0x1;
	s10 =	sld [smem:$0x3FBA]  }
0x3d: {  	_ =	shalt  }
0x3e: {  	_ =	shalt  }
0x3f: {  	_ =	shalt  }
0x40: {  	_ =	shalt  }
0x41: {  	_ =	shalt  }
0x42: {  	_ =	shalt  }
0x43: {  	_ =	shalt  }
0x44: {  	_ =	shalt  }
0x45: {  	_ =	shalt  }
0x46: {  	_ =	shalt  }
0x47: {  	_ =	shalt  }
0x48: {  	_ =	shalt  }
0x49: {  	_ =	shalt  }
0x4a: {  	_ =	shalt  }
0x4b: {  	_ =	shalt  }
0x4c: {  	_ =	shalt  }
0x4d: {  	_ =	shalt  }
0x4e: {  	_ =	shalt  }
0x4f: {  	_ =	shalt  }
0x50: {  	_ =	shalt  }
0x51: {  	_ =	shalt  }
0x52: {  	_ =	shalt  }
0x53: {  	_ =	shalt  }
0x54: {  	_ =	shalt  }
0x55: {  	_ =	shalt  }
0x56: {  	_ =	shalt  }
0x57: {  	_ =	shalt  }
0x58: {  	_ =	shalt  }
0x59: {  	_ =	shalt  }
0x5a: {  	_ =	shalt  }
0x5b: {  	_ =	shalt  }
0x5c: {  	_ =	shalt  }
0x5d: {  	_ =	shalt  }
0x5e: {  	_ =	shalt  }
0x5f: {  	_ =	shalt  }
0x60: {  	_ =	shalt  }
0x61: {  	_ =	shalt  }
0x62: {  	_ =	shalt  }
0x63: {  	_ =	shalt  }
0x64: {  	_ =	shalt  }
0x65: {  	_ =	shalt  }
0x66: {  	_ =	shalt  }
0x67: {  	_ =	shalt  }
0x68: {  	_ =	shalt  }
0x69: {  	_ =	shalt  }
0x6a: {  	_ =	shalt  }
0x6b: {  	_ =	shalt  }
0x6c: {  	_ =	shalt  }
0x6d: {  	_ =	shalt  }
0x6e: {  	_ =	shalt  }
0x6f: {  	_ =	shalt  }
0x70: {  	_ =	shalt  }
0x71: {  	_ =	shalt  }
0x72: {  	_ =	shalt  }
0x73: {  	_ =	shalt  }
0x74: {  	_ =	shalt  }
0x75: {  	_ =	shalt  }
0x76: {  	_ =	shalt  }
0x77: {  	_ =	shalt  }
0x78: {  	_ =	shalt  }
0x79: {  	_ =	shalt  }
0x7a: {  	_ =	shalt  }
0x7b: {  	_ =	shalt  }
0x7c: {  	_ =	shalt  }
0x7d: {  	_ =	shalt  }
0x7e: {  	_ =	shalt  }
0x7f: {  	_ =	shalt  }
0x80: {  	_ =	shalt  }
0x81: {  	_ =	shalt  }
0x82: {  	_ =	shalt  }
0x83: {  	_ =	shalt  }
0x84: {  	_ =	shalt  }
0x85: {  	_ =	shalt  }
0x86: {  	_ =	shalt  }
0x87: {  	_ =	shalt  }
.Lfunc_end0:
.L_simem_size_0:
called_computation.1_lowered:
.L_overlay_start_0:
0x88: {  	s2 =	sld [smem:$0x3FD9]  }
0x89: {  	s3 =	sld [smem:$0x3FFE];
	_ =	sdelay $0x1  }
0x8a: {  	s1 =	srdreg.scid  }
0x8b: {  	s0 =	sand.u32 $0x1, s1  }
0x8c: {  	s17 =	sshll.u32 s0, $0xA;
	s2 =	sadd.s32 s3, s2  }
0x8d: {  	s2 =	sadd.s32 s2, s17  }
0x8e: {  	[smem:$0x3FC6] =	sst s2  }
0x8f: {  	_ = 	snop  }
0x90: {  	s2 =	sld [smem:$0x3FD0];
	(tm) =	ssettm $0x1  }
0x91: {  	s18 =	sld [smem:$0x3FFB];
	_ =	sdelay $0x3  }
0x92: {  	_ =	strace s18  }
0x93: {  	s3 =	sld [smem:$0x3FFC];
	_ =	sdelay $0x3  }
0x94: {  	_ =	strace s3  }
0x95: {  	s3 =	sld [smem:$0x3FFD];
	_ =	sdelay $0x3  }
0x96: {  	_ =	strace s3  }
0x97: {  	_ =	strace $0x8FFFFFFF  }
0x98: {  	s19 =	sld [smem:$0x3FDB];
	_ =	sdelay $0x1  }
0x99: {  	s4 =	simm.s32 $_scs_section_size  }
0x9a: {  	s5 =	simm.s32 $_size__tile_overlayer_lowered;
	s6 =	simm.s32 $_tile_overlayer_lowered  }
0x9b: {  	s22 =	simm.s32 $0x1BFF;
	s21 =	sshll.u32 s6, $0x1;
	s3 =	sadd.s32 s4, s19  }
0x9c: {  	s7 =	simm.s32 $0x0;
	s20 =	sshll.u32 s5, $0x1;
	s5 =	sadd.s32 s21, s3  }
0x9d: {  	[timem:s7], [sflag:s22] =	dma.local [hbm:s5], s20  }
0x9e: {  	_ =	swait.ge [sflag:s22], s20  }
0x9f: {  	s4 =	ssub.s32 $0x0, s20;
	[sflag:s22] =	ssyncset.done $0x0  }
0xa0: {  	[sflag:s22] =	ssyncadd.s32 s4;
	_ =	sdelay $0x1  }
0xa1: {  	s23 =	simm.s32 $0x1B8B  }
0xa2: {  	_ =	swait.ge [sflag:s23], $0x1  }
0xa3: {  	[sflag:s23] =	ssyncset.done $0x0  }
0xa4: {  	s25 =	simm.s32 $0x1B8E;
	s24 =	sld [smem:$0x3FFE];
	[sflag:s23] =	ssyncadd.s32 $0xFFFFFFFF  }
0xa5: {  	s26 =	simm.s32 $execute0_lowered;
	[smem:$0x3FD2] =	sst s25  }
0xa6: {  	s5 =	sshll.u32 s26, $0x1;
	_ =	strace $0x80000046;
	[dreg:$0x1] =	wrdreg $0xFFFFFFFF  }
0xa7: {  	s28 =	simm.s32 $_size_execute0_lowered;
	s3 =	sadd.s32 s3, s5;
	[dreg:$0x0] =	wrdreg $0x0  }
0xa8: {  	s5 =	sshll.u32 s28, $0x1;
	[dreg:$0x2] =	wrdreg s3  }
0xa9: {  	[dreg:$0x3] =	wrdreg s5  }
0xaa: {  	[dreg:$0x4] =	wrdreg $0xC0  }
0xab: {  	_ =	task [dreg:s7], $0x5FFFF  }
0xac: {  	[dreg:$0x1] =	wrdreg $0xFFFFFFFF  }
0xad: {  	[dreg:$0x0] =	wrdreg $0x60  }
0xae: {  	[dreg:$0x2] =	wrdreg s24  }
0xaf: {  	[dreg:$0x3] =	wrdreg s2  }
0xb0: {  	[dreg:$0x4] =	wrdreg $0x9  }
0xb1: {  	_ =	task.clear_ibuf [dreg:s7], $0x5FFFF;
	_ =	strace $0x90000046  }
0xb2: {  	s29 =	simm.s32 $0x9;
	_ =	strace $0x80000048  }
0xb3: {  	_ =	swait.ge [sflag:s29], $0x1  }
0xb4: {  	[sflag:s29] =	ssyncadd.s32 $0xFFFFFFFF  }
0xb5: {  	_ =	strace $0x90000048  }
0xb6: {  	_ =	sfence  }
0xb7: {  	s30 =	sld [smem:$0x0];
	_ =	sdelay $0x2  }
0xb8: {  	s31 =	sshll.u32 s1, $0xD;
	s1 =	sshrl.u32 s1, $0x2  }
0xb9: {  	s3 =	sand.u32 $0x4000, s31;
	s1 =	sadd.s32 s1, s30  }
0xba: {  	s0 =	sor.u32 s3, s0;
	s1 =	sshll.u32 s1, $0x11  }
0xbb: {  	s0 =	sor.u32 s1, s0  }
0xbc: {  	s0 =	sadd.s32 $0x8F2B, s0  }
0xbd: {  	[sflag:s0] =	ssyncadd.remote.s32 $0x1  }
0xbe: {  	_ =	sfence.sel $0xFFFF  }
0xbf: {  	[dreg:$0x0] =	wrdreg $0xFFFFFFFF;
	(pc) =	sbr.abs _section_cstart, $3  }
0xc0: {  	[dreg:$0x1] =	wrdreg $0xFFFFFFFF  }
0xc1: {  	_ =	task.clear_ibuf [dreg:s7], $0x2FFFF;
	_ =	strace $0x9FFFFFFF  }
0xc2: {  	(tm) =	ssettm $0x7FFFFFFF  }
0xc3: {  	_ =	shalt  }
tec
execute0_lowered:
.L_overlay_start_1:
0x0: {  	(tag) =	ssettag $0x1  }
0x1: {  	s0 =	rddreg [dreg:$0x0]  }
0x2: {  	s1 =	rddreg [dreg:$0x1];
	s2 =	srdreg.scid  }
0x3: {  	s8 =	stileid.u32;
	s21 =	simm.s32 $0xBB00;
	s30 =	simm.s32 $0xED00  }
0x4: {  	s10 =	simm.s32 $0x10600;
	s15 =	simm.s32 $0x11F00;
	s18 =	simm.s32 $0x12B80  }
0x5: {  	s19 =	simm.s32 $0x1;
	s20 =	simm.s32 $0x9;
	s22 =	simm.s32 $0x2  }
0x6: {  	s23 =	simm.s32 $0xA;
	s28 =	simm.s32 $0x4;
	s29 =	simm.s32 $0xC  }
0x7: {  	s31 =	simm.s32 $0x5;
	s11 =	simm.s32 $0xE;
	s12 =	simm.s32 $0x7  }
0x8: {  	s14 =	simm.s32 $0xF;
	s16 =	simm.s32 $0x8;
	s4 =	sand.u32 $0x1, s2  }
0x9: {  	s2 =	simm.s32 $0x0;
	s3 =	sshll.u32 s8, $0xA;
	s8 =	smul.u32 $0x64000, s8  }
0xa: {  	s5 =	sshll.u32 s4, $0x9;
	[smem:$0x7FF] =	sst s2;
	s6 =	ssub.s32 $0x2, s4  }
0xb: {  	s4 =	smul.u32 $0x32000, s4;
	s3 =	sor.u32 s5, s3;
	_ =	strace $0x80000047  }
0xc: {  	s7 =	sshrl.u32 s6, $0x1;
	s26 =	sadd.s32 s8, s1;
	s8 =	simm.s32 $0x32  }
0xd: {  	s1 =	simm.s32 $0x6;
	s5 =	smul.u32 $0x7, s3;
	s3 =	sadd.s32 $0xF42E00, s0  }
.Ltmp0:
0xe: {  	s24 =	ssub.s32 s6, s7;
	s6 =	simm.s32 $0x0;
	(pc) =	sbr.rel .LBB2_1-.Ltmp0, $4  }
0xf: {  	s25 =	smax.u32 s24, $0x1;
	s24 =	simm.s32 $0x3;
	s0 =	sadd.s32 s5, s0  }
0x10: {  	[dreg:$0x4] =	wrdreg s25;
	s25 =	simm.s32 $0xD400;
	s0 =	sadd.s32 $0xA00, s0  }
0x11: {  	[dreg:$0x3] =	wrdreg s0;
	s0 =	sadd.s32 s4, s26;
	s26 =	simm.s32 $0xB  }
0x12: {  	s4 =	simm.s32 $0x10;
	[dreg:$0x5] =	wrdreg s0;
	s0 =	simm.s32 $0xD  }
.LBB2_4:
0x13: {  	s6 =	rddreg [dreg:$0x6]  }
0x14: {  	s5 =	rddreg [dreg:$0x4];
	s6 =	sadd.s32 $0x1, s6  }
0x15: {  	p0 =	sne.s32 s6, s5  }
.Ltmp1:
0x16: {  	_ = 	snop;
	(pc) =	sbr.rel @!p0 .LBB2_5-.Ltmp1, $1  }
0x17: {  	_ =	sdelay $0x3  }
.LBB2_1:
0x18: {  	[dreg:$0x6] =	wrdreg s6  }
0x19: {  	s5 =	rddreg [dreg:$0x3];
	s7 =	simm.s32 $0x11  }
0x1a: {  	[tilespmem:s2], [sflag:$0x11] =	stream.linear.gather [hbm4b:s5+s2], $0x7000, $0x38;
	[tilespmem:$0x13800] =	vst v63  }
0x1b: {  	_ =	swait.ge [sflag:s7], $0x7000  }
0x1c: {  	[sflag:s7] =	ssyncset.done $0x0  }
0x1d: {  	s9 =	simm.s32 $0x7000;
	[sflag:s7] =	ssyncadd.s32 $0xFFFF9000  }
0x1e: {  	[tilespmem:s9], [sflag:$0x1] =	stream.indirect.gather [hbm4b:s3+s8], $0x40, s2, s8, $0xb8;
	[tilespmem:$0x13800] =	vst v63  }
0x1f: {  	s13 =	simm.s32 $0x38;
	s17 =	simm.s32 $0x7C80  }
0x20: {  	[tilespmem:s17], [sflag:$0x1] =	stream.indirect.gather [hbm4b:s3+s8], $0x40, s13, s8, $0xb8;
	[tilespmem:$0x13800] =	vst v63  }
0x21: {  	s7 =	simm.s32 $0x70;
	s9 =	simm.s32 $0x8900  }
0x22: {  	[tilespmem:s9], [sflag:$0x2] =	stream.indirect.gather [hbm4b:s3+s8], $0x40, s7, s8, $0xb8;
	[tilespmem:$0x13800] =	vst v63  }
0x23: {  	s13 =	simm.s32 $0xA8;
	s17 =	simm.s32 $0x9580  }
0x24: {  	[tilespmem:s17], [sflag:$0x2] =	stream.indirect.gather [hbm4b:s3+s8], $0x40, s13, s8, $0xb8;
	[tilespmem:$0x13800] =	vst v63  }
0x25: {  	s7 =	simm.s32 $0xE0;
	s9 =	simm.s32 $0xA200  }
0x26: {  	[tilespmem:s9], [sflag:$0x3] =	stream.indirect.gather [hbm4b:s3+s8], $0x40, s7, s8, $0xb8;
	[tilespmem:$0x13800] =	vst v63  }
0x27: {  	s13 =	simm.s32 $0x118;
	s17 =	simm.s32 $0xAE80  }
0x28: {  	[tilespmem:s17], [sflag:$0x3] =	stream.indirect.gather [hbm4b:s3+s8], $0x40, s13, s8, $0xb8;
	[tilespmem:$0x13800] =	vst v63  }
0x29: {  	s7 =	simm.s32 $0x150  }
0x2a: {  	[tilespmem:s21], [sflag:$0x4] =	stream.indirect.gather [hbm4b:s3+s8], $0x40, s7, s8, $0xb8;
	[tilespmem:$0x13800] =	vst v63  }
0x2b: {  	s9 =	simm.s32 $0x188;
	s13 =	simm.s32 $0xC780  }
0x2c: {  	[tilespmem:s13], [sflag:$0x4] =	stream.indirect.gather [hbm4b:s3+s8], $0x40, s9, s8, $0xb8;
	[tilespmem:$0x13800] =	vst v63  }
0x2d: {  	s17 =	simm.s32 $0x1C0  }
0x2e: {  	[tilespmem:s25], [sflag:$0x5] =	stream.indirect.gather [hbm4b:s3+s8], $0x40, s17, s8, $0xb8;
	[tilespmem:$0x13800] =	vst v63  }
0x2f: {  	s6 =	simm.s32 $0x1F8;
	s7 =	simm.s32 $0xE080  }
0x30: {  	[tilespmem:s7], [sflag:$0x5] =	stream.indirect.gather [hbm4b:s3+s8], $0x40, s6, s8, $0xb8;
	[tilespmem:$0x13800] =	vst v63  }
0x31: {  	s9 =	simm.s32 $0x230  }
0x32: {  	[tilespmem:s30], [sflag:$0x6] =	stream.indirect.gather [hbm4b:s3+s8], $0x40, s9, s8, $0xb8;
	[tilespmem:$0x13800] =	vst v63  }
0x33: {  	s13 =	simm.s32 $0x268;
	s17 =	simm.s32 $0xF980  }
0x34: {  	[tilespmem:s17], [sflag:$0x6] =	stream.indirect.gather [hbm4b:s3+s8], $0x40, s13, s8, $0xb8;
	[tilespmem:$0x13800] =	vst v63  }
0x35: {  	s6 =	simm.s32 $0x2A0  }
0x36: {  	[tilespmem:s10], [sflag:$0x7] =	stream.indirect.gather [hbm4b:s3+s8], $0x40, s6, s8, $0xb8;
	[tilespmem:$0x13800] =	vst v63  }
0x37: {  	s7 =	simm.s32 $0x2D8;
	s9 =	simm.s32 $0x11280  }
0x38: {  	[tilespmem:s9], [sflag:$0x7] =	stream.indirect.gather [hbm4b:s3+s8], $0x40, s7, s8, $0xb8;
	[tilespmem:$0x13800] =	vst v63  }
0x39: {  	s13 =	simm.s32 $0x310  }
0x3a: {  	[tilespmem:s15], [sflag:$0x8] =	stream.indirect.gather [hbm4b:s3+s8], $0x40, s13, s8, $0xb8;
	[tilespmem:$0x13800] =	vst v63  }
0x3b: {  	s17 =	simm.s32 $0x348;
	s6 =	rddreg [dreg:$0x5];
	s7 =	simm.s32 $0x0  }
0x3c: {  	[tilespmem:s18], [sflag:$0x8] =	stream.indirect.gather [hbm4b:s3+s8], $0x40, s17, s8, $0xb8;
	[tilespmem:$0x13800] =	vst v63  }
.LBB2_2:
0x3d: {  	_ =	swait.ge [sflag:s19], $0xC80  }
0x3e: {  	[sflag:s19] =	ssyncset.done $0x0  }
0x3f: {  	[sflag:s19] =	ssyncadd.s32 $0xFFFFF380  }
0x40: {  	_ =	swait.ge [sflag:s19], $0xC80  }
0x41: {  	[sflag:s19] =	ssyncset.done $0x0  }
0x42: {  	s5 =	simm.s32 $0x7000;
	[sflag:s19] =	ssyncadd.s32 $0xFFFFF380  }
0x43: {  	[hbm4b:s6+s2] =	stream.linear.scatter [tilespmem:s5], [sflag:$0x9], $0x1900, $0x38;
	[tilespmem:$0x13800] =	vst v63  }
0x44: {  	p0 =	seq.s32 s7, $0x1B200;
	_ =	swait.ge [sflag:s20], $0x1900  }
0x45: {  	s9 =	simm.s32 @!p0 $0x32;
	s5 =	sshra.s32 @!p0 s7, $0x2;
	[sflag:s20] =	ssyncset.done $0x0  }
0x46: {  	s17 =	simm.s32 @!p0 $0x7000;
	s13 =	sadd.s32 @!p0 $0x380, s5;
	[sflag:s20] =	ssyncadd.s32 $0xFFFFE700  }
0x47: {  	[tilespmem:s17], [sflag:$0x1] =	stream.indirect.gather @!p0 [hbm4b:s3+s9], $0x40, s13, s9, $0xb8;
	[tilespmem:$0x13800] =	vst v63  }
0x48: {  	s13 =	sadd.s32 @!p0 $0x3B8, s5;
	s17 =	simm.s32 @!p0 $0x7C80  }
0x49: {  	[tilespmem:s17], [sflag:$0x1] =	stream.indirect.gather @!p0 [hbm4b:s3+s9], $0x40, s13, s9, $0xb8;
	[tilespmem:$0x13800] =	vst v63  }
0x4a: {  	_ =	swait.ge [sflag:s22], $0xC80  }
0x4b: {  	[sflag:s22] =	ssyncset.done $0x0  }
0x4c: {  	[sflag:s22] =	ssyncadd.s32 $0xFFFFF380  }
0x4d: {  	_ =	swait.ge [sflag:s22], $0xC80  }
0x4e: {  	[sflag:s22] =	ssyncset.done $0x0  }
0x4f: {  	s13 =	sadd.s32 $0x320, s6;
	s17 =	simm.s32 $0x8900;
	[sflag:s22] =	ssyncadd.s32 $0xFFFFF380  }
0x50: {  	[hbm4b:s13+s2] =	stream.linear.scatter [tilespmem:s17], [sflag:$0xA], $0x1900, $0x38;
	[tilespmem:$0x13800] =	vst v63  }
0x51: {  	_ =	swait.ge [sflag:s23], $0x1900  }
0x52: {  	[sflag:s23] =	ssyncset.done $0x0  }
0x53: {  	s13 =	sadd.s32 @!p0 $0x3F0, s5;
	s17 =	simm.s32 @!p0 $0x8900;
	[sflag:s23] =	ssyncadd.s32 $0xFFFFE700  }
0x54: {  	[tilespmem:s17], [sflag:$0x2] =	stream.indirect.gather @!p0 [hbm4b:s3+s9], $0x40, s13, s9, $0xb8;
	[tilespmem:$0x13800] =	vst v63  }
0x55: {  	s13 =	sadd.s32 @!p0 $0x428, s5;
	s17 =	simm.s32 @!p0 $0x9580  }
0x56: {  	[tilespmem:s17], [sflag:$0x2] =	stream.indirect.gather @!p0 [hbm4b:s3+s9], $0x40, s13, s9, $0xb8;
	[tilespmem:$0x13800] =	vst v63  }
0x57: {  	_ =	swait.ge [sflag:s24], $0xC80  }
0x58: {  	[sflag:s24] =	ssyncset.done $0x0  }
0x59: {  	[sflag:s24] =	ssyncadd.s32 $0xFFFFF380  }
0x5a: {  	_ =	swait.ge [sflag:s24], $0xC80  }
0x5b: {  	[sflag:s24] =	ssyncset.done $0x0  }
0x5c: {  	s13 =	sadd.s32 $0x640, s6;
	s17 =	simm.s32 $0xA200;
	[sflag:s24] =	ssyncadd.s32 $0xFFFFF380  }
0x5d: {  	[hbm4b:s13+s2] =	stream.linear.scatter [tilespmem:s17], [sflag:$0xB], $0x1900, $0x38;
	[tilespmem:$0x13800] =	vst v63  }
0x5e: {  	_ =	swait.ge [sflag:s26], $0x1900  }
0x5f: {  	[sflag:s26] =	ssyncset.done $0x0  }
0x60: {  	s13 =	sadd.s32 @!p0 $0x460, s5;
	s17 =	simm.s32 @!p0 $0xA200;
	[sflag:s26] =	ssyncadd.s32 $0xFFFFE700  }
0x61: {  	[tilespmem:s17], [sflag:$0x3] =	stream.indirect.gather @!p0 [hbm4b:s3+s9], $0x40, s13, s9, $0xb8;
	[tilespmem:$0x13800] =	vst v63  }
0x62: {  	s13 =	sadd.s32 @!p0 $0x498, s5;
	s17 =	simm.s32 @!p0 $0xAE80  }
0x63: {  	[tilespmem:s17], [sflag:$0x3] =	stream.indirect.gather @!p0 [hbm4b:s3+s9], $0x40, s13, s9, $0xb8;
	[tilespmem:$0x13800] =	vst v63  }
0x64: {  	_ =	swait.ge [sflag:s28], $0xC80  }
0x65: {  	[sflag:s28] =	ssyncset.done $0x0  }
0x66: {  	[sflag:s28] =	ssyncadd.s32 $0xFFFFF380  }
0x67: {  	_ =	swait.ge [sflag:s28], $0xC80  }
0x68: {  	[sflag:s28] =	ssyncset.done $0x0  }
0x69: {  	s17 =	sadd.s32 $0x960, s6;
	[sflag:s28] =	ssyncadd.s32 $0xFFFFF380  }
0x6a: {  	[hbm4b:s17+s2] =	stream.linear.scatter [tilespmem:s21], [sflag:$0xC], $0x1900, $0x38;
	[tilespmem:$0x13800] =	vst v63  }
0x6b: {  	_ =	swait.ge [sflag:s29], $0x1900  }
0x6c: {  	[sflag:s29] =	ssyncset.done $0x0  }
0x6d: {  	s13 =	sadd.s32 @!p0 $0x4D0, s5;
	s17 =	simm.s32 @!p0 $0xBB00;
	[sflag:s29] =	ssyncadd.s32 $0xFFFFE700  }
0x6e: {  	[tilespmem:s17], [sflag:$0x4] =	stream.indirect.gather @!p0 [hbm4b:s3+s9], $0x40, s13, s9, $0xb8;
	[tilespmem:$0x13800] =	vst v63  }
0x6f: {  	s13 =	sadd.s32 @!p0 $0x508, s5;
	s17 =	simm.s32 @!p0 $0xC780  }
0x70: {  	[tilespmem:s17], [sflag:$0x4] =	stream.indirect.gather @!p0 [hbm4b:s3+s9], $0x40, s13, s9, $0xb8;
	[tilespmem:$0x13800] =	vst v63  }
0x71: {  	_ =	swait.ge [sflag:s31], $0xC80  }
0x72: {  	[sflag:s31] =	ssyncset.done $0x0  }
0x73: {  	[sflag:s31] =	ssyncadd.s32 $0xFFFFF380  }
0x74: {  	_ =	swait.ge [sflag:s31], $0xC80  }
0x75: {  	[sflag:s31] =	ssyncset.done $0x0  }
0x76: {  	s17 =	sadd.s32 $0xC80, s6;
	[sflag:s31] =	ssyncadd.s32 $0xFFFFF380  }
0x77: {  	[hbm4b:s17+s2] =	stream.linear.scatter [tilespmem:s25], [sflag:$0xD], $0x1900, $0x38;
	[tilespmem:$0x13800] =	vst v63  }
0x78: {  	_ =	swait.ge [sflag:s0], $0x1900  }
0x79: {  	[sflag:s0] =	ssyncset.done $0x0  }
0x7a: {  	s13 =	sadd.s32 @!p0 $0x540, s5;
	s17 =	simm.s32 @!p0 $0xD400;
	[sflag:s0] =	ssyncadd.s32 $0xFFFFE700  }
0x7b: {  	[tilespmem:s17], [sflag:$0x5] =	stream.indirect.gather @!p0 [hbm4b:s3+s9], $0x40, s13, s9, $0xb8;
	[tilespmem:$0x13800] =	vst v63  }
0x7c: {  	s13 =	sadd.s32 @!p0 $0x578, s5;
	s17 =	simm.s32 @!p0 $0xE080  }
0x7d: {  	[tilespmem:s17], [sflag:$0x5] =	stream.indirect.gather @!p0 [hbm4b:s3+s9], $0x40, s13, s9, $0xb8;
	[tilespmem:$0x13800] =	vst v63  }
0x7e: {  	_ =	swait.ge [sflag:s1], $0xC80  }
0x7f: {  	[sflag:s1] =	ssyncset.done $0x0  }
0x80: {  	[sflag:s1] =	ssyncadd.s32 $0xFFFFF380  }
0x81: {  	_ =	swait.ge [sflag:s1], $0xC80  }
0x82: {  	[sflag:s1] =	ssyncset.done $0x0  }
0x83: {  	s17 =	sadd.s32 $0xFA0, s6;
	[sflag:s1] =	ssyncadd.s32 $0xFFFFF380  }
0x84: {  	[hbm4b:s17+s2] =	stream.linear.scatter [tilespmem:s30], [sflag:$0xE], $0x1900, $0x38;
	[tilespmem:$0x13800] =	vst v63  }
0x85: {  	_ =	swait.ge [sflag:s11], $0x1900  }
0x86: {  	[sflag:s11] =	ssyncset.done $0x0  }
0x87: {  	s13 =	sadd.s32 @!p0 $0x5B0, s5;
	s17 =	simm.s32 @!p0 $0xED00;
	[sflag:s11] =	ssyncadd.s32 $0xFFFFE700  }
0x88: {  	[tilespmem:s17], [sflag:$0x6] =	stream.indirect.gather @!p0 [hbm4b:s3+s9], $0x40, s13, s9, $0xb8;
	[tilespmem:$0x13800] =	vst v63  }
0x89: {  	s13 =	sadd.s32 @!p0 $0x5E8, s5;
	s17 =	simm.s32 @!p0 $0xF980  }
0x8a: {  	[tilespmem:s17], [sflag:$0x6] =	stream.indirect.gather @!p0 [hbm4b:s3+s9], $0x40, s13, s9, $0xb8;
	[tilespmem:$0x13800] =	vst v63  }
0x8b: {  	_ =	swait.ge [sflag:s12], $0xC80  }
0x8c: {  	[sflag:s12] =	ssyncset.done $0x0  }
0x8d: {  	[sflag:s12] =	ssyncadd.s32 $0xFFFFF380  }
0x8e: {  	_ =	swait.ge [sflag:s12], $0xC80  }
0x8f: {  	[sflag:s12] =	ssyncset.done $0x0  }
0x90: {  	s17 =	sadd.s32 $0x12C0, s6;
	[sflag:s12] =	ssyncadd.s32 $0xFFFFF380  }
0x91: {  	[hbm4b:s17+s2] =	stream.linear.scatter [tilespmem:s10], [sflag:$0xF], $0x1900, $0x38;
	[tilespmem:$0x13800] =	vst v63  }
0x92: {  	_ =	swait.ge [sflag:s14], $0x1900  }
0x93: {  	[sflag:s14] =	ssyncset.done $0x0  }
0x94: {  	s13 =	sadd.s32 @!p0 $0x620, s5;
	s17 =	simm.s32 @!p0 $0x10600;
	[sflag:s14] =	ssyncadd.s32 $0xFFFFE700  }
0x95: {  	[tilespmem:s17], [sflag:$0x7] =	stream.indirect.gather @!p0 [hbm4b:s3+s9], $0x40, s13, s9, $0xb8;
	[tilespmem:$0x13800] =	vst v63  }
0x96: {  	s5 =	sadd.s32 @!p0 $0x658, s5;
	s13 =	simm.s32 @!p0 $0x11280  }
0x97: {  	[tilespmem:s13], [sflag:$0x7] =	stream.indirect.gather @!p0 [hbm4b:s3+s9], $0x40, s5, s9, $0xb8;
	[tilespmem:$0x13800] =	vst v63  }
0x98: {  	_ =	swait.ge [sflag:s16], $0xC80  }
0x99: {  	[sflag:s16] =	ssyncset.done $0x0  }
0x9a: {  	[sflag:s16] =	ssyncadd.s32 $0xFFFFF380  }
0x9b: {  	_ =	swait.ge [sflag:s16], $0xC80  }
0x9c: {  	[sflag:s16] =	ssyncset.done $0x0  }
.Ltmp2:
0x9d: {  	s17 =	sadd.s32 $0x15E0, s6;
	[sflag:s16] =	ssyncadd.s32 $0xFFFFF380;
	(pc) =	sbr.rel @p0 .LBB2_4-.Ltmp2, $4  }
0x9e: {  	[hbm4b:s17+s2] =	stream.linear.scatter [tilespmem:s15], [sflag:$0x10], $0x1900, $0x38;
	[tilespmem:$0x13800] =	vst v63  }
0x9f: {  	_ =	swait.ge [sflag:s4], $0x1900  }
0xa0: {  	[sflag:s4] =	ssyncset.done $0x0  }
0xa1: {  	[sflag:s4] =	ssyncadd.s32 $0xFFFFE700  }
.Ltmp3:
0xa2: {  	s5 =	sshra.s32 s7, $0x2;
	(pc) =	sbr.rel .LBB2_2-.Ltmp3, $4  }
0xa3: {  	s9 =	sadd.s32 $0x690, s5  }
0xa4: {  	[tilespmem:s15], [sflag:$0x8] =	stream.indirect.gather [hbm4b:s3+s8], $0x40, s9, s8, $0xb8;
	[tilespmem:$0x13800] =	vst v63  }
0xa5: {  	s7 =	sadd.s32 $0xE00, s7;
	s6 =	sadd.s32 $0x1900, s6;
	s5 =	sadd.s32 $0x6C8, s5  }
0xa6: {  	[tilespmem:s18], [sflag:$0x8] =	stream.indirect.gather [hbm4b:s3+s8], $0x40, s5, s8, $0xb8;
	[tilespmem:$0x13800] =	vst v63  }
.LBB2_5:
0xa7: {  	_ =	sfence.sel $0x180000  }
0xa8: {  	[bflag:$0x0] =	sbarrier.arrive $0xFFFF  }
0xa9: {  	_ =	strace $0x90000047  }
0xaa: {  	s0 =	stileid.u32;
	[bflag:$0x2] =	sbarrier.arrive $0xFFFF  }
0xab: {  	p0 =	sne.s32 s0, $0x0;
	s0 =	rddreg [dreg:$0x2]  }
0xac: {  	s0 =	sadd.s32 @!p0 $0x100000, s0  }
0xad: {  	[sflag:s0] =	ssyncadd.tile.s32 @!p0 $0x1;
	_ =	shalt  }
.Lfunc_end2:
_tile_overlayer_lowered:
.L_overlay_start_2:
0xae: {  	(tag) =	ssettag $0x2  }
0xaf: {  	s0 =	rddreg [dreg:$0x0];
	s2 =	stileid.u32  }
0xb0: {  	s1 =	rddreg [dreg:$0x1];
	p0 =	sne.s32 s2, $0x0  }
0xb1: {  	s3 =	rddreg [dreg:$0x2];
	[bflag:$0x3] =	sbarrier.arrive $0xFFFF;
	s2 =	simm.s32 @!p0 $0x1C11  }
0xb2: {  	[timem:s3], [sflag:s2] =	dma.local @!p0 [hbm:s0], s1  }
0xb3: {  	s0 =	simm.s32 @!p0 $0x11  }
0xb4: {  	_ =	swait.ge @!p0 [sflag:s0], s1  }
0xb5: {  	s1 =	ssub.s32 @!p0 $0x0, s1;
	[sflag:s0] =	ssyncset.done @!p0 $0x0  }
0xb6: {  	[sflag:s0] =	ssyncadd.s32 @!p0 s1  }
0xb7: {  	[bflag:$0x3] =	sbarrier.arrive $0xFFFF  }
0xb8: {  	_ =	shalt  }

// kernel: sparse-core-data-format-call.cloned.1.call-start
scs
called_computation_lowered:
.L_overlay_start_0:
0x0: {  	s2 =	sld [smem:$0x3FD9]  }
0x1: {  	s3 =	sld [smem:$0x3FFE];
	_ =	sdelay $0x1  }
0x2: {  	s1 =	srdreg.scid  }
0x3: {  	s0 =	sand.u32 $0x1, s1  }
0x4: {  	s18 =	sshll.u32 s0, $0xA;
	s2 =	sadd.s32 s3, s2  }
0x5: {  	s2 =	sadd.s32 s2, s18  }
0x6: {  	[smem:$0x3FC6] =	sst s2  }
0x7: {  	_ = 	snop  }
0x8: {  	s2 =	sld [smem:$0x3FD0];
	(tm) =	ssettm $0x1  }
0x9: {  	s19 =	sld [smem:$0x3FFB];
	_ =	sdelay $0x3  }
0xa: {  	_ =	strace s19  }
0xb: {  	s3 =	sld [smem:$0x3FFC];
	_ =	sdelay $0x3  }
0xc: {  	_ =	strace s3  }
0xd: {  	s3 =	sld [smem:$0x3FFD];
	_ =	sdelay $0x3  }
0xe: {  	_ =	strace s3  }
0xf: {  	_ =	strace $0x8FFFFFFF  }
0x10: {  	s20 =	sld [smem:$0x3FDB];
	_ =	sdelay $0x1  }
0x11: {  	s4 =	simm.s32 $_scs_section_size  }
0x12: {  	s5 =	simm.s32 $_size__tile_overlayer_lowered;
	s6 =	simm.s32 $_tile_overlayer_lowered  }
0x13: {  	s23 =	simm.s32 $0x1BFF;
	s22 =	sshll.u32 s6, $0x1;
	s3 =	sadd.s32 s4, s20  }
0x14: {  	s7 =	simm.s32 $0x0;
	s21 =	sshll.u32 s5, $0x1;
	s5 =	sadd.s32 s22, s3  }
0x15: {  	[timem:s7], [sflag:s23] =	dma.local [hbm:s5], s21  }
0x16: {  	_ =	swait.ge [sflag:s23], s21  }
0x17: {  	s4 =	ssub.s32 $0x0, s21;
	[sflag:s23] =	ssyncset.done $0x0  }
0x18: {  	[sflag:s23] =	ssyncadd.s32 s4;
	_ =	sdelay $0x1  }
0x19: {  	s24 =	simm.s32 $0x1B8B  }
0x1a: {  	_ =	swait.ge [sflag:s24], $0x1  }
0x1b: {  	[sflag:s24] =	ssyncset.done $0x0  }
0x1c: {  	s26 =	simm.s32 $0x1B8E;
	s25 =	sld [smem:$0x3FFE];
	[sflag:s24] =	ssyncadd.s32 $0xFFFFFFFF  }
0x1d: {  	s27 =	simm.s32 $execute0_lowered;
	[smem:$0x3FD2] =	sst s26  }
0x1e: {  	s5 =	sshll.u32 s27, $0x1;
	_ =	strace $0x80000049;
	[dreg:$0x1] =	wrdreg $0xFFFFFFFF  }
0x1f: {  	s28 =	simm.s32 $_size_execute0_lowered;
	s3 =	sadd.s32 s3, s5;
	[dreg:$0x0] =	wrdreg $0x0  }
0x20: {  	s5 =	sshll.u32 s28, $0x1;
	[dreg:$0x2] =	wrdreg s3  }
0x21: {  	[dreg:$0x3] =	wrdreg s5  }
0x22: {  	[dreg:$0x4] =	wrdreg $0xC0  }
0x23: {  	_ =	task [dreg:s7], $0x5FFFF  }
0x24: {  	[dreg:$0x1] =	wrdreg $0xFFFFFFFF  }
0x25: {  	[dreg:$0x0] =	wrdreg $0x60  }
0x26: {  	[dreg:$0x2] =	wrdreg s25  }
0x27: {  	[dreg:$0x3] =	wrdreg s2  }
0x28: {  	[dreg:$0x4] =	wrdreg $0x9  }
0x29: {  	_ =	task.clear_ibuf [dreg:s7], $0x5FFFF;
	_ =	strace $0x90000049  }
0x2a: {  	s29 =	simm.s32 $0x9;
	_ =	strace $0x8000004B  }
0x2b: {  	_ =	swait.ge [sflag:s29], $0x1  }
0x2c: {  	[sflag:s29] =	ssyncadd.s32 $0xFFFFFFFF  }
0x2d: {  	_ =	strace $0x9000004B  }
0x2e: {  	_ =	sfence  }
0x2f: {  	s30 =	sld [smem:$0x0];
	_ =	sdelay $0x2  }
0x30: {  	s31 =	sshll.u32 s1, $0xD;
	s1 =	sshrl.u32 s1, $0x2  }
0x31: {  	s3 =	sand.u32 $0x4000, s31;
	s1 =	sadd.s32 s1, s30  }
0x32: {  	s0 =	sor.u32 s3, s0;
	s1 =	sshll.u32 s1, $0x11  }
0x33: {  	s0 =	sor.u32 s1, s0  }
0x34: {  	s0 =	sadd.s32 $0x8F2B, s0  }
0x35: {  	[sflag:s0] =	ssyncadd.remote.s32 $0x1  }
0x36: {  	_ =	sfence.sel $0xFFFF  }
0x37: {  	[dreg:$0x0] =	wrdreg $0xFFFFFFFF;
	(pc) =	sbr.abs _section_cstart, $3  }
0x38: {  	[dreg:$0x1] =	wrdreg $0xFFFFFFFF  }
0x39: {  	_ =	task.clear_ibuf [dreg:s7], $0x2FFFF;
	_ =	strace $0x9FFFFFFF  }
0x3a: {  	(tm) =	ssettm $0x7FFFFFFF  }
0x3b: {  	_ =	shalt  }
tec
execute0_lowered:
.L_overlay_start_1:
0x0: {  	(tag) =	ssettag $0x1  }
0x1: {  	s0 =	srdreg.scid  }
0x2: {  	s1 =	sshll.u32 s0, $0x4  }
0x3: {  	s0 =	stileid.u32;
	s1 =	sand.u32 $0x10, s1  }
0x4: {  	s1 =	sor.u32 s0, s1  }
0x5: {  	s6 =	rddreg [dreg:$0x0];
	s4 =	simm.s32 $0x1;
	s2 =	sshll.u32 s1, $0x7  }
0x6: {  	s7 =	simm.s32 $0x2;
	s12 =	simm.s32 $0x0;
	s1 =	ssub.s32 $0x4000, s2  }
0x7: {  	s8 =	simm.s32 $0x20000;
	s13 =	simm.s32 $0x0;
	s3 =	sand.u32 $0xF80, s1  }
0x8: {  	s9 =	simm.s32 $0x0;
	s5 =	sshrl.u32 s1, $0xC;
	p0 =	sne.s32 s3, $0x0  }
.Ltmp0:
0x9: {  	s1 =	rddreg [dreg:$0x2];
	s4 =	simm.s32 @!p0 $0x0;
	(pc) =	sbr.rel .LBB1_1-.Ltmp0, $4  }
0xa: {  	s11 =	simm.s32 $0x0;
	s3 =	rddreg [dreg:$0x1];
	s5 =	sadd.s32 s4, s5  }
0xb: {  	_ =	strace $0x8000004A;
	s4 =	simm.s32 $0x1;
	s5 =	smul.u32 $0x32, s5  }
0xc: {  	s6 =	sadd.s32 $0xA00, s6;
	s10 =	smov.u32 s2;
	[sflag:s4] =	ssyncpa.u1 $0x0  }
0xd: {  	p0 =	por $0x0, $0x0;
	[sflag:s7] =	ssyncpa.u1 $0x0;
	s7 =	sor.u32 $0x1, s5  }
.LBB1_4:
0xe: {  	s16 =	sshll.u32 s13, $0x3;
	s17 =	sand.u32 $0x78, s13  }
0xf: {  	s30 =	sand.u32 $0x1F800, s13;
	s12 =	sshll.u32 s12, $0x11;
	s16 =	sand.u32 $0x3C00, s16  }
0x10: {  	[tilespmem:s15+$0x810 ss:$0x81] =	vst.msk $0xffff, v2;
	s31 =	sand.u32 $0x7, s13;
	s16 =	sor.u32 s17, s16;
	s17 =	sadd.s32 s3, s30  }
0x11: {  	[tilespmem:s15+$0x1020 ss:$0x81] =	vst.msk $0xffff, v0;
	s13 =	sshll.u32 s31, $0x12;
	s12 =	sadd.s32 s12, s17;
	s16 =	sshrl.u32 s16, $0x3  }
0x12: {  	[tilespmem:s15+$0x0 ss:$0x81] =	vst.msk $0xffff, v1;
	s13 =	sor.u32 $0x400, s13;
	s12 =	sadd.s32 s16, s12  }
0x13: {  	[hbm4b:s12+s13] =	stream.strided.scatter [tilespmem:s14], [sflag:$0x2], $0x2000, s8, s13, $0x20;
	[tilespmem:$0x8080] =	vst v63  }
.LBB1_5:
0x14: {  	s14 =	sadd.s32 $0x1, s9  }
0x15: {  	s12 =	sadd.s32 $0x1000, s10;
	s16 =	smov.u32 s10;
	p2 =	sgt.s32 s14, $0x31  }
0x16: {  	s16 =	smov.u32 @p2 s12  }
0x17: {  	s14 =	simm.s32 @p2 $0x0;
	p2 =	sgt.s32 s16, $0x3FFF  }
0x18: {  	s16 =	smov.u32 @p2 s2;
	p2 =	sne.s32 s11, s7  }
.Ltmp1:
0x19: {  	p1 =	slt.u32 s11, $0x2;
	(pc) =	sbr.rel @!p2 .LBB1_6-.Ltmp1, $4  }
0x1a: {  	s15 =	simm.s32 @!p1 $0x2  }
0x1b: {  	s13 =	smov.u32 s10;
	p0 =	por !p0, !p0;
	_ =	swait.ge @!p1 [sflag:s15], $0x2000  }
0x1c: {  	s12 =	smov.u32 s9;
	[sflag:s15] =	ssyncset.done @!p1 $0x0;
	s9 =	smov.u32 s14  }
0x1d: {  	s11 =	sadd.s32 $0x1, s11;
	[sflag:s15] =	ssyncadd.s32 @!p1 $0xFFFFE000;
	s10 =	smov.u32 s16  }
.LBB1_1:
0x1e: {  	p1 =	sge.u32 s11, s5  }
0x1f: {  	s14 =	sand.u32 @!p1 $0x1FFFFFF, s9  }
0x20: {  	s15 =	smulhi.u32 @!p1 $0x4924925, s14;
	_ =	sdelay $0x1  }
0x21: {  	s15 =	smul.u32 @!p1 $0x38, s15  }
0x22: {  	s16 =	sxor.u32 @!p1 $0xFFFFFFFF, s11;
	s17 =	smul.u32 @!p1 $0x380, s10  }
0x23: {  	s31 =	sadd.s32 $0xFFFFFFFF, s11;
	s16 =	sshll.u32 @!p1 s16, $0xD;
	s14 =	ssub.s32 @!p1 s14, s15  }
0x24: {  	s15 =	sand.u32 @!p1 $0x2000, s16;
	s16 =	sadd.s32 @!p1 s6, s17;
	s14 =	sshll.u32 @!p1 s14, $0x4  }
0x25: {  	s17 =	simm.s32 @!p1 $0x1C00;
	s14 =	sadd.s32 @!p1 s14, s16;
	s16 =	simm.s32 @!p1 $0x40  }
0x26: {  	[tilespmem:s15], [sflag:$0x1] =	stream.strided.gather @!p1 [hbm4b:s14+s16], $0x2000, s17, s16, $0x38;
	[tilespmem:$0x8080] =	vst v63  }
0x27: {  	p1 =	sge.u32 s31, s5  }
.Ltmp2:
0x28: {  	_ = 	snop;
	(pc) =	sbr.rel @p1 .LBB1_5-.Ltmp2, $1  }
0x29: {  	_ =	sdelay $0x3  }
0x2a: {  	s14 =	simm.s32 $0x1  }
0x2b: {  	_ =	swait.ge [sflag:s4], $0x2000;
	s14 =	simm.s32 @!p0 $0x0  }
0x2c: {  	[sflag:s4] =	ssyncset.done $0x0;
	s15 =	sshll.u32 s14, $0xD  }
0x2d: {  	[sflag:s4] =	ssyncadd.s32 $0xFFFFE000;
	s18 =	sor.u32 $0x20, s15  }
0x2e: {  	s14 =	smul.u32 $0x8100, s14;
	v3 =	vld [tilespmem:s18+$0x10]  }
0x2f: {  	s30 =	sand.u32 $0x1, s11;
	v2 =	vld [tilespmem:s18+$0xFFFFFFF0]  }
0x30: {  	s15 =	smul.u32 $0x8100, s30;
	s14 =	sshrl.u32 s14, $0x2;
	v0 =	vld [tilespmem:s18+$0x0]  }
0x31: {  	v1 =	vld [tilespmem:s18+$0xFFFFFFE0];
	s16 =	sor.u32 $0x4000, s14  }
0x32: {  	s31 =	sshrl.u32 s15, $0x2;
	s15 =	sadd.s32 $0x0, s16  }
0x33: {  	s17 =	simm.s32 $0x4;
	s18 =	sadd.s32 $0x40, s18;
	s14 =	sor.u32 $0x4000, s31;
	[tilespmem:s15+$0x1830 ss:$0x81] =	vst.msk $0xffff, v3  }
.LBB1_3:
0x34: {  	v3 =	vld [tilespmem:s18+$0x10];
	p1 =	sne.s32 s17, $0x1FC;
	[tilespmem:s15+$0x810 ss:$0x81] =	vst.msk $0xffff, v2;
	s19 =	smov.u32 s17;
	s17 =	sadd.s32 $0x4, s17  }
.Ltmp3:
0x35: {  	v2 =	vld [tilespmem:s18+$0xFFFFFFF0];
	[tilespmem:s15+$0x1020 ss:$0x81] =	vst.msk $0xffff, v0;
	(pc) =	sbr.rel @p1 .LBB1_3-.Ltmp3, $4  }
0x36: {  	v0 =	vld [tilespmem:s18+$0x0];
	[tilespmem:s15+$0x0 ss:$0x81] =	vst.msk $0xffff, v1  }
0x37: {  	s15 =	sshra.s32 s19, $0x2;
	v1 =	vld [tilespmem:s18+$0xFFFFFFE0]  }
0x38: {  	s15 =	sadd.s32 s15, s16  }
0x39: {  	s18 =	sadd.s32 $0x40, s18;
	[tilespmem:s15+$0x1830 ss:$0x81] =	vst.msk $0xffff, v3  }
.Ltmp4:
0x3a: {  	_ = 	snop;
	(pc) =	sbr.rel .LBB1_4-.Ltmp4, $1  }
0x3b: {  	_ =	sdelay $0x3  }
.LBB1_6:
0x3c: {  	_ =	sfence.sel $0x180000  }
0x3d: {  	s2 =	simm.s32 $0x1;
	[bflag:$0x0] =	sbarrier.arrive $0xFFFF  }
0x3e: {  	s31 =	simm.s32 $0x2;
	[sflag:s2] =	ssyncpa.u1 $0x1  }
0x3f: {  	[sflag:s31] =	ssyncpa.u1 $0x1  }
0x40: {  	p0 =	sne.s32 s0, $0x0;
	_ =	strace $0x9000004A  }
0x41: {  	s0 =	sadd.s32 @!p0 $0x100000, s1;
	[bflag:$0x2] =	sbarrier.arrive $0xFFFF  }
0x42: {  	[sflag:s0] =	ssyncadd.tile.s32 @!p0 $0x1;
	_ =	shalt  }
.Lfunc_end1:
_tile_overlayer_lowered:
.L_overlay_start_2:
0x43: {  	(tag) =	ssettag $0x2  }
0x44: {  	s0 =	rddreg [dreg:$0x0];
	s2 =	stileid.u32  }
0x45: {  	s1 =	rddreg [dreg:$0x1];
	p0 =	sne.s32 s2, $0x0  }
0x46: {  	s3 =	rddreg [dreg:$0x2];
	[bflag:$0x3] =	sbarrier.arrive $0xFFFF;
	s2 =	simm.s32 @!p0 $0x1C01  }
0x47: {  	[timem:s3], [sflag:s2] =	dma.local @!p0 [hbm:s0], s1  }
0x48: {  	s0 =	simm.s32 @!p0 $0x1  }
0x49: {  	_ =	swait.ge @!p0 [sflag:s0], s1  }
0x4a: {  	s1 =	ssub.s32 @!p0 $0x0, s1;
	[sflag:s0] =	ssyncset.done @!p0 $0x0  }
0x4b: {  	[sflag:s0] =	ssyncadd.s32 @!p0 s1  }
0x4c: {  	[bflag:$0x3] =	sbarrier.arrive $0xFFFF  }
0x4d: {  	_ =	shalt  }

</sc_bundles>
